<compile_context>
chip_gen: v7x
topology: tpu7x:2x2x1
jax: 0.10.2.dev20260603
libtpu: 0.0.44.dev20260713+nightly
codegen_flags: <defaults>
</compile_context>

<pallas_src>
import functools

import jax
import jax.numpy as jnp
from jax import lax
from jax.experimental import pallas as pl
from jax.experimental.pallas import tpu as pltpu
from jax.experimental.pallas import tpu_sc as plsc

NC = 2
NS = 16
L = 16
CHUNK = 128
RING = 2
IG = 8


@functools.lru_cache(maxsize=None)
def _make_sc_segsum(N, D, CH, NPAD):
    ROWS_PT = NPAD // NS
    NG = CH // IG
    mesh = plsc.VectorSubcoreMesh(core_axis_name="c", subcore_axis_name="s")

    @functools.partial(
        pl.kernel,
        out_type=(
            jax.ShapeDtypeStruct((NC, NPAD, D), jnp.float32),
            jax.ShapeDtypeStruct((NC, NS, NPAD), jnp.float32),
        ),
        mesh=mesh,
        compiler_params=pltpu.CompilerParams(needs_layout_passes=False),
        scratch_types=(
            pltpu.VMEM_SHARED((NPAD, D), jnp.float32),
            pltpu.VMEM((2, IG, CHUNK), jnp.int32),
            pltpu.VMEM((2, IG, CHUNK), jnp.int32),
            pltpu.VMEM((RING, CHUNK, D), jnp.float32),
            pltpu.VMEM((NPAD,), jnp.float32),
            [pltpu.SemaphoreType.DMA] * RING,
            pltpu.SemaphoreType.DMA,
        ),
    )
    def seg(xs_hbm, srcs_hbm, dsts_hbm, zeros_hbm, agg_out, deg_out,
            shared_agg, src_v, dst_v, rows_v, deg_v, sg, si):
        c = lax.axis_index("c")
        s = lax.axis_index("s")
        x_hbm = xs_hbm.at[c]
        pltpu.sync_copy(zeros_hbm,
                        shared_agg.at[pl.ds(s * ROWS_PT, ROWS_PT)])
        zeros16 = jnp.zeros((L,), jnp.float32)

        def zero_body(i, carry):
            deg_v[pl.ds(i * L, L)] = zeros16
            return carry

        lax.fori_loop(0, NPAD // L, zero_body, 0)
        pltpu.sync_copy(srcs_hbm.at[c, s, pl.ds(0, IG)], src_v.at[0])
        pltpu.sync_copy(dsts_hbm.at[c, s, pl.ds(0, IG)], dst_v.at[0])
        plsc.subcore_barrier()

        ones = jnp.full((L,), 1.0, jnp.float32)
        for b in range(RING):
            pltpu.async_copy(x_hbm.at[src_v.at[0, b]], rows_v.at[b], sg[b])

        def group_body(g, carry):
            slot = lax.rem(g, 2)
            nslot = lax.rem(g + 1, 2)

            for jj in range(IG):
                j = g * IG + jj
                b = jj % RING
                if jj == 2:
                    @pl.when(g + 1 < NG)
                    def _():
                        pltpu.async_copy(
                            srcs_hbm.at[c, s, pl.ds((g + 1) * IG, IG)],
                            src_v.at[nslot], si)
                        pltpu.async_copy(
                            dsts_hbm.at[c, s, pl.ds((g + 1) * IG, IG)],
                            dst_v.at[nslot], si)
                if jj == IG - RING:
                    @pl.when(g + 1 < NG)
                    def _():
                        pltpu.make_async_copy(
                            srcs_hbm.at[c, s, pl.ds((g + 1) * IG, IG)],
                            src_v.at[nslot], si).wait()
                        pltpu.make_async_copy(
                            dsts_hbm.at[c, s, pl.ds((g + 1) * IG, IG)],
                            dst_v.at[nslot], si).wait()

                pltpu.make_async_copy(
                    x_hbm.at[src_v.at[slot, jj]], rows_v.at[b], sg[b]).wait()
                pltpu.sync_copy(
                    rows_v.at[b], shared_agg.at[dst_v.at[slot, jj]], add=True)
                for k in range(CHUNK // L):
                    d = dst_v[slot, jj, pl.ds(k * L, L)]
                    plsc.addupdate_scatter(deg_v, [d], ones)

                @pl.when(j + RING < CH)
                def _():
                    if jj + RING < IG:
                        gidx = src_v.at[slot, jj + RING]
                    else:
                        gidx = src_v.at[nslot, jj + RING - IG]
                    pltpu.async_copy(x_hbm.at[gidx], rows_v.at[b], sg[b])
            return carry

        lax.fori_loop(0, NG, group_body, 0)
        plsc.subcore_barrier()
        pltpu.sync_copy(shared_agg.at[pl.ds(s * ROWS_PT, ROWS_PT)],
                        agg_out.at[c, pl.ds(s * ROWS_PT, ROWS_PT)])
        pltpu.sync_copy(deg_v, deg_out.at[c, s])

    return seg


def _finalize_body(x_ref, agg_ref, deg_ref, wl_ref, bl_ref, wr_ref, o_ref):
    deg = jnp.sum(deg_ref[0], axis=0)
    mean = agg_ref[0] / jnp.clip(deg, 1.0)[:, None]
    dn = (((1,), (1,)), ((), ()))
    o_ref[0] = (
        lax.dot_general(mean, wl_ref[...], dn, preferred_element_type=jnp.float32)
        + lax.dot_general(x_ref[0], wr_ref[...], dn, preferred_element_type=jnp.float32)
        + bl_ref[...])


def kernel(x_src, x_ref, src_edge_indices, ref_edge_indices, W_l, b_l, W_r):
    N, D = x_src.shape
    E = src_edge_indices.shape[0]
    CH = -(-E // (NS * CHUNK))
    CH = -(-CH // IG) * IG
    EP = NS * CH * CHUNK
    NPAD = -(-(N + 1) // 128) * 128

    pad = EP - E

    def prep(col, fill):
        parts = []
        for e in (src_edge_indices, ref_edge_indices):
            parts.append(e[:, col])
            if pad:
                parts.append(jnp.full((pad,), fill, jnp.int32))
        return jnp.concatenate(parts).reshape(2, NS, CH, CHUNK)

    srcs = prep(0, 0)
    dsts = prep(1, N)
    xs = jnp.stack([x_src, x_ref])
    zeros = jnp.zeros((NPAD // NS, D), jnp.float32)

    seg = _make_sc_segsum(N, D, CH, NPAD)
    agg, deg = seg(xs, srcs, dsts, zeros)

    RB = 512
    nb = -(-N // RB)
    outs = pl.pallas_call(
        _finalize_body,
        grid=(2, nb),
        in_specs=[
            pl.BlockSpec((1, RB, D), lambda g, i: (g, i, 0)),
            pl.BlockSpec((1, RB, D), lambda g, i: (g, i, 0)),
            pl.BlockSpec((1, NS, RB), lambda g, i: (g, 0, i)),
            pl.BlockSpec((D, D), lambda g, i: (0, 0)),
            pl.BlockSpec((1, D), lambda g, i: (0, 0)),
            pl.BlockSpec((D, D), lambda g, i: (0, 0)),
        ],
        out_specs=pl.BlockSpec((1, RB, D), lambda g, i: (g, i, 0)),
        out_shape=jax.ShapeDtypeStruct((2, N, D), jnp.float32),
    )(xs, agg, deg, W_l, b_l.reshape(1, D), W_r)
    return outs[0], outs[1]

# --- scband reference (transcript-rebuilt; emitter-appended) ---
"""Pipeline reference for scband-graph-neural-network-83726092468501 (READ-ONLY COPY).

The authoritative reference and input builder live on the scoring server;
editing this copy changes nothing except your own understanding.
"""

import jax, jax.numpy as jnp
import numpy as np

N = 10000
D = 128
E = 320000


def setup_inputs(seed: int = 0) -> dict:
    key = jax.random.key(seed)
    ks = jax.random.split(key, 8)
    x_src = jax.random.normal(ks[0], (N, D), dtype=jnp.float32)
    x_ref = jax.random.normal(ks[1], (N, D), dtype=jnp.float32)
    src_edge_indices = jax.random.randint(ks[2], (E, 2), 0, N, dtype=jnp.int32)
    ref_edge_indices = jax.random.randint(ks[3], (E, 2), 0, N, dtype=jnp.int32)
    # SAGEConv(D, D) learned params: lin_l (with bias) applied to mean-aggregated
    # neighbor features, lin_r (no bias) applied to root features.
    scale = 1.0 / np.sqrt(D)
    W_l = jax.random.uniform(ks[4], (D, D), dtype=jnp.float32, minval=-scale, maxval=scale)
    b_l = jax.random.uniform(ks[5], (D,), dtype=jnp.float32, minval=-scale, maxval=scale)
    W_r = jax.random.uniform(ks[6], (D, D), dtype=jnp.float32, minval=-scale, maxval=scale)
    return {
        "x_src": x_src,
        "x_ref": x_ref,
        "src_edge_indices": src_edge_indices,
        "ref_edge_indices": ref_edge_indices,
        "W_l": W_l,
        "b_l": b_l,
        "W_r": W_r,
    }


def _sage_conv(x, edge_index, W_l, b_l, W_r):
    # edge_index: [2, E], row 0 = source, row 1 = target (PyG convention).
    src = edge_index[0]
    dst = edge_index[1]
    msgs = jnp.take(x, src, axis=0)                       # gather  [E, D]
    agg = jax.ops.segment_sum(msgs, dst, num_segments=x.shape[0])
    deg = jax.ops.segment_sum(jnp.ones((edge_index.shape[1],), dtype=x.dtype), dst, num_segments=x.shape[0])
    mean = agg / jnp.clip(deg, 1.0)[:, None]              # mean aggregation
    return mean @ W_l.T + b_l + x @ W_r.T


def reference(x_src, x_ref, src_edge_indices, ref_edge_indices, W_l, b_l, W_r):
    # GraphNeuralNetwork forward with conf.gnn.layers=['sage'],
    # aggregate_all_edges=False:
    #   src_edges_bd = edge_indices.t().long()  -> [2, E]
    #   x = SAGEConv(x, edges) applied independently to src and ref graphs
    se = src_edge_indices.T
    re = ref_edge_indices.T
    out_src = _sage_conv(x_src, se, W_l, b_l, W_r)
    out_ref = _sage_conv(x_ref, re, W_l, b_l, W_r)
    return (out_src, out_ref)

if __name__ == "__main__":
    import jax
    _d = setup_inputs()
    print(jax.jit(kernel)(*tuple(_d.values())))

</pallas_src>

<mosaic_0001>
#map = affine_map<(d0, d1) -> (0, 0, 0)>
#map1 = affine_map<(d0, d1) -> (0, 0, 0, 0)>
#map2 = affine_map<(d0, d1) -> (0, 0)>
module attributes {stable_mosaic.version = 14 : i64} {
  func.func @seg(%arg0: i32, %arg1: i32, %arg2: memref<2x10000x128xf32, #tpu.memory_space<hbm>>, %arg3: memref<2x16x160x128xi32, #tpu.memory_space<hbm>>, %arg4: memref<2x16x160x128xi32, #tpu.memory_space<hbm>>, %arg5: memref<632x128xf32, #tpu.memory_space<hbm>>, %arg6: memref<2x10112x128xf32, #tpu.memory_space<hbm>>, %arg7: memref<2x16x10112xf32, #tpu.memory_space<hbm>>, %arg8: memref<10112x128xf32, #tpu.memory_space<vmem_shared>>, %arg9: memref<2x8x128xi32, #tpu.memory_space<vmem>>, %arg10: memref<2x8x128xi32, #tpu.memory_space<vmem>>, %arg11: memref<2x128x128xf32, #tpu.memory_space<vmem>>, %arg12: memref<10112xf32, #tpu.memory_space<vmem>>, %arg13: memref<!tpu.dma_semaphore, #tpu.memory_space<semaphore_mem>>, %arg14: memref<!tpu.dma_semaphore, #tpu.memory_space<semaphore_mem>>, %arg15: memref<!tpu.dma_semaphore, #tpu.memory_space<semaphore_mem>>) attributes {dimension_semantics = [#tpu.dimension_semantics<core_parallel>, #tpu.dimension_semantics<subcore_parallel>], iteration_bounds = array<i64: 2, 16>, scalar_prefetch = 0 : i64, scratch_operands = 8 : i64, tpu.core_type = #tpu.core_type<sc_vector_subcore>, window_params = [{transform_indices = #map}, {transform_indices = #map1}, {transform_indices = #map1}, {transform_indices = #map2}, {transform_indices = #map}, {transform_indices = #map}]} {
    %mul3A = arith.constant 632 : i32
    %mul3A_0 = arith.muli %arg1, %mul3A : i32
    "tpu.region"() ({
      %run_scoped3A_54 = tpu.sem_alloc : memref<!tpu.dma_semaphore, #tpu.memory_space<semaphore_mem>>
      %dma_start3A_55 = arith.constant 0 : i32
      %dma_start3A_56 = tpu.memref_slice %arg8[%mul3A_0, %dma_start3A_55] : memref<10112x128xf32, #tpu.memory_space<vmem_shared>> -> memref<632x128xf32, #tpu.memory_space<vmem_shared>>
      tpu.enqueue_dma source(%arg5 : memref<632x128xf32, #tpu.memory_space<hbm>>) target(%dma_start3A_56 : memref<632x128xf32, #tpu.memory_space<vmem_shared>>) target_semaphore(%run_scoped3A_54 : memref<!tpu.dma_semaphore, #tpu.memory_space<semaphore_mem>>)
      %dma_wait3A = arith.constant 0 : i32
      %dma_wait3A_57 = tpu.memref_slice %arg8[%mul3A_0, %dma_wait3A] : memref<10112x128xf32, #tpu.memory_space<vmem_shared>> -> memref<632x128xf32, #tpu.memory_space<vmem_shared>>
      tpu.wait_dma2 semaphore(%run_scoped3A_54 : memref<!tpu.dma_semaphore, #tpu.memory_space<semaphore_mem>>) src(%arg5 : memref<632x128xf32, #tpu.memory_space<hbm>>) dst(%dma_wait3A_57 : memref<632x128xf32, #tpu.memory_space<vmem_shared>>)
      tpu.yield
    }) : () -> ()
    %broadcast_in_dim3A = arith.constant 0.000000e+00 : f32
    %broadcast_in_dim3A_1 = vector.broadcast %broadcast_in_dim3A : f32 to vector<16xf32>
    %scan3A = arith.constant 0 : i32
    %scan3A_2 = arith.constant 0 : i32
    %scan3A_3 = arith.constant 632 : i32
    %scan3A_4 = arith.addi %scan3A_2, %scan3A_3 : i32
    %scan3A_5 = arith.constant 1 : i32
    scf.for %scan3A_54 = %scan3A_2 to %scan3A_4 step %scan3A_5  : i32 {
      %mul3A_55 = arith.constant 16 : i32
      %mul3A_56 = arith.muli %scan3A_54, %mul3A_55 : i32
      %swap3A = arith.index_cast %mul3A_56 : i32 to index
      %swap3A_57 = tpu.vector_load %arg12[%swap3A] {strides = array<i32>} : memref<10112xf32, #tpu.memory_space<vmem>>, vector<16xf32>,
      tpu.vector_store %arg12[%swap3A], %broadcast_in_dim3A_1 {strides = array<i32>} : memref<10112xf32, #tpu.memory_space<vmem>>, vector<16xf32>,
    }
    %scan3A_6 = arith.constant 632 : i32
    %run_scoped3A = arith.constant 0 : i32
    "tpu.region"() ({
      %run_scoped3A_54 = tpu.sem_alloc : memref<!tpu.dma_semaphore, #tpu.memory_space<semaphore_mem>>
      %dma_start3A_55 = arith.constant 0 : i32
      %dma_start3A_56 = arith.constant 0 : i32
      %dma_start3A_57 = tpu.memref_slice %arg9[%run_scoped3A, %dma_start3A_55, %dma_start3A_56] : memref<2x8x128xi32, #tpu.memory_space<vmem>> -> memref<1x8x128xi32, #tpu.memory_space<vmem>>
      %dma_start3A_58 = tpu.memref_squeeze %dma_start3A_57 : memref<1x8x128xi32, #tpu.memory_space<vmem>> -> memref<8x128xi32, #tpu.memory_space<vmem>>
      %dma_start3A_59 = arith.constant 0 : i32
      %dma_start3A_60 = arith.constant 0 : i32
      %dma_start3A_61 = tpu.memref_slice %arg3[%arg0, %arg1, %dma_start3A_59, %dma_start3A_60] : memref<2x16x160x128xi32, #tpu.memory_space<hbm>> -> memref<1x1x8x128xi32, #tpu.memory_space<hbm>>
      %dma_start3A_62 = tpu.memref_squeeze %dma_start3A_61 : memref<1x1x8x128xi32, #tpu.memory_space<hbm>> -> memref<8x128xi32, #tpu.memory_space<hbm>>
      %dma_start3A_63 = arith.constant 0 : i32
      %dma_start3A_64 = arith.constant 0 : i32
      %dma_start3A_65 = tpu.memref_slice %arg9[%run_scoped3A, %dma_start3A_63, %dma_start3A_64] : memref<2x8x128xi32, #tpu.memory_space<vmem>> -> memref<1x8x128xi32, #tpu.memory_space<vmem>>
      %dma_start3A_66 = tpu.memref_squeeze %dma_start3A_65 : memref<1x8x128xi32, #tpu.memory_space<vmem>> -> memref<8x128xi32, #tpu.memory_space<vmem>>
      %dma_start3A_67 = arith.constant 0 : i32
      %dma_start3A_68 = arith.constant 0 : i32
      %dma_start3A_69 = tpu.memref_slice %arg3[%arg0, %arg1, %dma_start3A_67, %dma_start3A_68] : memref<2x16x160x128xi32, #tpu.memory_space<hbm>> -> memref<1x1x8x128xi32, #tpu.memory_space<hbm>>
      %dma_start3A_70 = tpu.memref_squeeze %dma_start3A_69 : memref<1x1x8x128xi32, #tpu.memory_space<hbm>> -> memref<8x128xi32, #tpu.memory_space<hbm>>
      tpu.enqueue_dma source(%dma_start3A_70 : memref<8x128xi32, #tpu.memory_space<hbm>>) target(%dma_start3A_66 : memref<8x128xi32, #tpu.memory_space<vmem>>) target_semaphore(%run_scoped3A_54 : memref<!tpu.dma_semaphore, #tpu.memory_space<semaphore_mem>>)
      %dma_wait3A = arith.constant 0 : i32
      %dma_wait3A_71 = arith.constant 0 : i32
      %dma_wait3A_72 = tpu.memref_slice %arg9[%run_scoped3A, %dma_wait3A, %dma_wait3A_71] : memref<2x8x128xi32, #tpu.memory_space<vmem>> -> memref<1x8x128xi32, #tpu.memory_space<vmem>>
      %dma_wait3A_73 = tpu.memref_squeeze %dma_wait3A_72 : memref<1x8x128xi32, #tpu.memory_space<vmem>> -> memref<8x128xi32, #tpu.memory_space<vmem>>
      %dma_wait3A_74 = arith.constant 0 : i32
      %dma_wait3A_75 = arith.constant 0 : i32
      %dma_wait3A_76 = tpu.memref_slice %arg3[%arg0, %arg1, %dma_wait3A_74, %dma_wait3A_75] : memref<2x16x160x128xi32, #tpu.memory_space<hbm>> -> memref<1x1x8x128xi32, #tpu.memory_space<hbm>>
      %dma_wait3A_77 = tpu.memref_squeeze %dma_wait3A_76 : memref<1x1x8x128xi32, #tpu.memory_space<hbm>> -> memref<8x128xi32, #tpu.memory_space<hbm>>
      %dma_wait3A_78 = arith.constant 0 : i32
      %dma_wait3A_79 = arith.constant 0 : i32
      %dma_wait3A_80 = tpu.memref_slice %arg9[%run_scoped3A, %dma_wait3A_78, %dma_wait3A_79] : memref<2x8x128xi32, #tpu.memory_space<vmem>> -> memref<1x8x128xi32, #tpu.memory_space<vmem>>
      %dma_wait3A_81 = tpu.memref_squeeze %dma_wait3A_80 : memref<1x8x128xi32, #tpu.memory_space<vmem>> -> memref<8x128xi32, #tpu.memory_space<vmem>>
      %dma_wait3A_82 = arith.constant 0 : i32
      %dma_wait3A_83 = arith.constant 0 : i32
      %dma_wait3A_84 = tpu.memref_slice %arg3[%arg0, %arg1, %dma_wait3A_82, %dma_wait3A_83] : memref<2x16x160x128xi32, #tpu.memory_space<hbm>> -> memref<1x1x8x128xi32, #tpu.memory_space<hbm>>
      %dma_wait3A_85 = tpu.memref_squeeze %dma_wait3A_84 : memref<1x1x8x128xi32, #tpu.memory_space<hbm>> -> memref<8x128xi32, #tpu.memory_space<hbm>>
      tpu.wait_dma2 semaphore(%run_scoped3A_54 : memref<!tpu.dma_semaphore, #tpu.memory_space<semaphore_mem>>) src(%dma_wait3A_85 : memref<8x128xi32, #tpu.memory_space<hbm>>) dst(%dma_wait3A_81 : memref<8x128xi32, #tpu.memory_space<vmem>>)
      tpu.yield
    }) : () -> ()
    %run_scoped3A_7 = arith.constant 0 : i32
    "tpu.region"() ({
      %run_scoped3A_54 = tpu.sem_alloc : memref<!tpu.dma_semaphore, #tpu.memory_space<semaphore_mem>>
      %dma_start3A_55 = arith.constant 0 : i32
      %dma_start3A_56 = arith.constant 0 : i32
      %dma_start3A_57 = tpu.memref_slice %arg10[%run_scoped3A_7, %dma_start3A_55, %dma_start3A_56] : memref<2x8x128xi32, #tpu.memory_space<vmem>> -> memref<1x8x128xi32, #tpu.memory_space<vmem>>
      %dma_start3A_58 = tpu.memref_squeeze %dma_start3A_57 : memref<1x8x128xi32, #tpu.memory_space<vmem>> -> memref<8x128xi32, #tpu.memory_space<vmem>>
      %dma_start3A_59 = arith.constant 0 : i32
      %dma_start3A_60 = arith.constant 0 : i32
      %dma_start3A_61 = tpu.memref_slice %arg4[%arg0, %arg1, %dma_start3A_59, %dma_start3A_60] : memref<2x16x160x128xi32, #tpu.memory_space<hbm>> -> memref<1x1x8x128xi32, #tpu.memory_space<hbm>>
      %dma_start3A_62 = tpu.memref_squeeze %dma_start3A_61 : memref<1x1x8x128xi32, #tpu.memory_space<hbm>> -> memref<8x128xi32, #tpu.memory_space<hbm>>
      %dma_start3A_63 = arith.constant 0 : i32
      %dma_start3A_64 = arith.constant 0 : i32
      %dma_start3A_65 = tpu.memref_slice %arg10[%run_scoped3A_7, %dma_start3A_63, %dma_start3A_64] : memref<2x8x128xi32, #tpu.memory_space<vmem>> -> memref<1x8x128xi32, #tpu.memory_space<vmem>>
      %dma_start3A_66 = tpu.memref_squeeze %dma_start3A_65 : memref<1x8x128xi32, #tpu.memory_space<vmem>> -> memref<8x128xi32, #tpu.memory_space<vmem>>
      %dma_start3A_67 = arith.constant 0 : i32
      %dma_start3A_68 = arith.constant 0 : i32
      %dma_start3A_69 = tpu.memref_slice %arg4[%arg0, %arg1, %dma_start3A_67, %dma_start3A_68] : memref<2x16x160x128xi32, #tpu.memory_space<hbm>> -> memref<1x1x8x128xi32, #tpu.memory_space<hbm>>
      %dma_start3A_70 = tpu.memref_squeeze %dma_start3A_69 : memref<1x1x8x128xi32, #tpu.memory_space<hbm>> -> memref<8x128xi32, #tpu.memory_space<hbm>>
      tpu.enqueue_dma source(%dma_start3A_70 : memref<8x128xi32, #tpu.memory_space<hbm>>) target(%dma_start3A_66 : memref<8x128xi32, #tpu.memory_space<vmem>>) target_semaphore(%run_scoped3A_54 : memref<!tpu.dma_semaphore, #tpu.memory_space<semaphore_mem>>)
      %dma_wait3A = arith.constant 0 : i32
      %dma_wait3A_71 = arith.constant 0 : i32
      %dma_wait3A_72 = tpu.memref_slice %arg10[%run_scoped3A_7, %dma_wait3A, %dma_wait3A_71] : memref<2x8x128xi32, #tpu.memory_space<vmem>> -> memref<1x8x128xi32, #tpu.memory_space<vmem>>
      %dma_wait3A_73 = tpu.memref_squeeze %dma_wait3A_72 : memref<1x8x128xi32, #tpu.memory_space<vmem>> -> memref<8x128xi32, #tpu.memory_space<vmem>>
      %dma_wait3A_74 = arith.constant 0 : i32
      %dma_wait3A_75 = arith.constant 0 : i32
      %dma_wait3A_76 = tpu.memref_slice %arg4[%arg0, %arg1, %dma_wait3A_74, %dma_wait3A_75] : memref<2x16x160x128xi32, #tpu.memory_space<hbm>> -> memref<1x1x8x128xi32, #tpu.memory_space<hbm>>
      %dma_wait3A_77 = tpu.memref_squeeze %dma_wait3A_76 : memref<1x1x8x128xi32, #tpu.memory_space<hbm>> -> memref<8x128xi32, #tpu.memory_space<hbm>>
      %dma_wait3A_78 = arith.constant 0 : i32
      %dma_wait3A_79 = arith.constant 0 : i32
      %dma_wait3A_80 = tpu.memref_slice %arg10[%run_scoped3A_7, %dma_wait3A_78, %dma_wait3A_79] : memref<2x8x128xi32, #tpu.memory_space<vmem>> -> memref<1x8x128xi32, #tpu.memory_space<vmem>>
      %dma_wait3A_81 = tpu.memref_squeeze %dma_wait3A_80 : memref<1x8x128xi32, #tpu.memory_space<vmem>> -> memref<8x128xi32, #tpu.memory_space<vmem>>
      %dma_wait3A_82 = arith.constant 0 : i32
      %dma_wait3A_83 = arith.constant 0 : i32
      %dma_wait3A_84 = tpu.memref_slice %arg4[%arg0, %arg1, %dma_wait3A_82, %dma_wait3A_83] : memref<2x16x160x128xi32, #tpu.memory_space<hbm>> -> memref<1x1x8x128xi32, #tpu.memory_space<hbm>>
      %dma_wait3A_85 = tpu.memref_squeeze %dma_wait3A_84 : memref<1x1x8x128xi32, #tpu.memory_space<hbm>> -> memref<8x128xi32, #tpu.memory_space<hbm>>
      tpu.wait_dma2 semaphore(%run_scoped3A_54 : memref<!tpu.dma_semaphore, #tpu.memory_space<semaphore_mem>>) src(%dma_wait3A_85 : memref<8x128xi32, #tpu.memory_space<hbm>>) dst(%dma_wait3A_81 : memref<8x128xi32, #tpu.memory_space<vmem>>)
      tpu.yield
    }) : () -> ()
    %barrier3A = arith.constant 0 : index
    tpu.barrier barrier_id(%barrier3A)
    %broadcast_in_dim3A_8 = arith.constant 1.000000e+00 : f32
    %broadcast_in_dim3A_9 = vector.broadcast %broadcast_in_dim3A_8 : f32 to vector<16xf32>
    %dma_start3A = arith.constant 0 : i32
    %dma_start3A_10 = arith.constant 0 : i32
    %dma_start3A_11 = arith.constant 0 : i32
    %dma_start3A_12 = arith.constant 0 : i32
    %dma_start3A_13 = arith.constant 0 : i32
    %dma_start3A_14 = tpu.memref_slice %arg11[%dma_start3A_11, %dma_start3A_12, %dma_start3A_13] : memref<2x128x128xf32, #tpu.memory_space<vmem>> -> memref<1x128x128xf32, #tpu.memory_space<vmem>>
    %dma_start3A_15 = tpu.memref_squeeze %dma_start3A_14 : memref<1x128x128xf32, #tpu.memory_space<vmem>> -> memref<128x128xf32, #tpu.memory_space<vmem>>
    %dma_start3A_16 = arith.constant 0 : i32
    %dma_start3A_17 = tpu.memref_slice %arg9[%dma_start3A, %dma_start3A_10, %dma_start3A_16] : memref<2x8x128xi32, #tpu.memory_space<vmem>> -> memref<1x1x128xi32, #tpu.memory_space<vmem>>
    %dma_start3A_18 = tpu.memref_squeeze %dma_start3A_17 : memref<1x1x128xi32, #tpu.memory_space<vmem>> -> memref<128xi32, #tpu.memory_space<vmem>>
    %dma_start3A_19 = arith.constant 0 : i32
    %dma_start3A_20 = arith.constant 0 : i32
    %dma_start3A_21 = tpu.memref_slice %arg2[%arg0, %dma_start3A_19, %dma_start3A_20] : memref<2x10000x128xf32, #tpu.memory_space<hbm>> -> memref<1x10000x128xf32, #tpu.memory_space<hbm>>
    %dma_start3A_22 = tpu.memref_squeeze %dma_start3A_21 : memref<1x10000x128xf32, #tpu.memory_space<hbm>> -> memref<10000x128xf32, #tpu.memory_space<hbm>>
    %dma_start3A_23 = arith.constant 0 : i32
    %dma_start3A_24 = arith.constant 0 : i32
    %dma_start3A_25 = tpu.memref_slice %dma_start3A_22[%dma_start3A_23, %dma_start3A_24] : memref<10000x128xf32, #tpu.memory_space<hbm>> -> memref<10000x128xf32, #tpu.memory_space<hbm>>
    tpu.enqueue_indirect_dma source(%dma_start3A_25 : memref<10000x128xf32, #tpu.memory_space<hbm>>) target(%dma_start3A_15 : memref<128x128xf32, #tpu.memory_space<vmem>>) offsets(%dma_start3A_18 : memref<128xi32, #tpu.memory_space<vmem>>) semaphore(%arg13 : memref<!tpu.dma_semaphore, #tpu.memory_space<semaphore_mem>>)
    %dma_start3A_26 = arith.constant 0 : i32
    %dma_start3A_27 = arith.constant 1 : i32
    %dma_start3A_28 = arith.constant 1 : i32
    %dma_start3A_29 = arith.constant 0 : i32
    %dma_start3A_30 = arith.constant 0 : i32
    %dma_start3A_31 = tpu.memref_slice %arg11[%dma_start3A_28, %dma_start3A_29, %dma_start3A_30] : memref<2x128x128xf32, #tpu.memory_space<vmem>> -> memref<1x128x128xf32, #tpu.memory_space<vmem>>
    %dma_start3A_32 = tpu.memref_squeeze %dma_start3A_31 : memref<1x128x128xf32, #tpu.memory_space<vmem>> -> memref<128x128xf32, #tpu.memory_space<vmem>>
    %dma_start3A_33 = arith.constant 0 : i32
    %dma_start3A_34 = tpu.memref_slice %arg9[%dma_start3A_26, %dma_start3A_27, %dma_start3A_33] : memref<2x8x128xi32, #tpu.memory_space<vmem>> -> memref<1x1x128xi32, #tpu.memory_space<vmem>>
    %dma_start3A_35 = tpu.memref_squeeze %dma_start3A_34 : memref<1x1x128xi32, #tpu.memory_space<vmem>> -> memref<128xi32, #tpu.memory_space<vmem>>
    %dma_start3A_36 = arith.constant 0 : i32
    %dma_start3A_37 = arith.constant 0 : i32
    %dma_start3A_38 = tpu.memref_slice %arg2[%arg0, %dma_start3A_36, %dma_start3A_37] : memref<2x10000x128xf32, #tpu.memory_space<hbm>> -> memref<1x10000x128xf32, #tpu.memory_space<hbm>>
    %dma_start3A_39 = tpu.memref_squeeze %dma_start3A_38 : memref<1x10000x128xf32, #tpu.memory_space<hbm>> -> memref<10000x128xf32, #tpu.memory_space<hbm>>
    %dma_start3A_40 = arith.constant 0 : i32
    %dma_start3A_41 = arith.constant 0 : i32
    %dma_start3A_42 = tpu.memref_slice %dma_start3A_39[%dma_start3A_40, %dma_start3A_41] : memref<10000x128xf32, #tpu.memory_space<hbm>> -> memref<10000x128xf32, #tpu.memory_space<hbm>>
    tpu.enqueue_indirect_dma source(%dma_start3A_42 : memref<10000x128xf32, #tpu.memory_space<hbm>>) target(%dma_start3A_32 : memref<128x128xf32, #tpu.memory_space<vmem>>) offsets(%dma_start3A_35 : memref<128xi32, #tpu.memory_space<vmem>>) semaphore(%arg14 : memref<!tpu.dma_semaphore, #tpu.memory_space<semaphore_mem>>)
    %scan3A_43 = arith.constant 0 : i32
    %scan3A_44 = arith.constant 0 : i32
    %scan3A_45 = arith.constant 20 : i32
    %scan3A_46 = arith.addi %scan3A_44, %scan3A_45 : i32
    %scan3A_47 = arith.constant 1 : i32
    scf.for %scan3A_54 = %scan3A_44 to %scan3A_46 step %scan3A_47  : i32 {
      %rem3A = arith.constant 2 : i32
      %rem3A_55 = arith.remsi %scan3A_54, %rem3A : i32
      %add3A = arith.constant 1 : i32
      %add3A_56 = arith.addi %scan3A_54, %add3A : i32
      %rem3A_57 = arith.constant 2 : i32
      %rem3A_58 = arith.remsi %add3A_56, %rem3A_57 : i32
      %mul3A_59 = arith.constant 8 : i32
      %mul3A_60 = arith.muli %scan3A_54, %mul3A_59 : i32
      %add3A_61 = arith.constant 0 : i32
      %add3A_62 = arith.addi %mul3A_60, %add3A_61 : i32
      %dma_wait3A = arith.constant 0 : i32
      %dma_wait3A_63 = arith.constant 0 : i32
      %dma_wait3A_64 = arith.constant 0 : i32
      %dma_wait3A_65 = arith.constant 0 : i32
      %dma_wait3A_66 = tpu.memref_slice %arg11[%dma_wait3A_63, %dma_wait3A_64, %dma_wait3A_65] : memref<2x128x128xf32, #tpu.memory_space<vmem>> -> memref<1x128x128xf32, #tpu.memory_space<vmem>>
      %dma_wait3A_67 = tpu.memref_squeeze %dma_wait3A_66 : memref<1x128x128xf32, #tpu.memory_space<vmem>> -> memref<128x128xf32, #tpu.memory_space<vmem>>
      %dma_wait3A_68 = arith.constant 0 : i32
      %dma_wait3A_69 = tpu.memref_slice %arg9[%rem3A_55, %dma_wait3A, %dma_wait3A_68] : memref<2x8x128xi32, #tpu.memory_space<vmem>> -> memref<1x1x128xi32, #tpu.memory_space<vmem>>
      %dma_wait3A_70 = tpu.memref_squeeze %dma_wait3A_69 : memref<1x1x128xi32, #tpu.memory_space<vmem>> -> memref<128xi32, #tpu.memory_space<vmem>>
      %dma_wait3A_71 = arith.constant 0 : i32
      %dma_wait3A_72 = arith.constant 0 : i32
      %dma_wait3A_73 = tpu.memref_slice %arg2[%arg0, %dma_wait3A_71, %dma_wait3A_72] : memref<2x10000x128xf32, #tpu.memory_space<hbm>> -> memref<1x10000x128xf32, #tpu.memory_space<hbm>>
      %dma_wait3A_74 = tpu.memref_squeeze %dma_wait3A_73 : memref<1x10000x128xf32, #tpu.memory_space<hbm>> -> memref<10000x128xf32, #tpu.memory_space<hbm>>
      %dma_wait3A_75 = arith.constant 0 : i32
      %dma_wait3A_76 = arith.constant 0 : i32
      %dma_wait3A_77 = tpu.memref_slice %dma_wait3A_74[%dma_wait3A_75, %dma_wait3A_76] : memref<10000x128xf32, #tpu.memory_space<hbm>> -> memref<10000x128xf32, #tpu.memory_space<hbm>>
      tpu.wait_indirect_dma semaphore(%arg13 : memref<!tpu.dma_semaphore, #tpu.memory_space<semaphore_mem>>) src(%dma_wait3A_77 : memref<10000x128xf32, #tpu.memory_space<hbm>>) dst(%dma_wait3A_67 : memref<128x128xf32, #tpu.memory_space<vmem>>)
      %run_scoped3A_78 = arith.constant 0 : i32
      %run_scoped3A_79 = arith.constant 0 : i32
      "tpu.region"() ({
        %run_scoped3A_620 = tpu.sem_alloc : memref<!tpu.dma_semaphore, #tpu.memory_space<semaphore_mem>>
        %dma_start3A_621 = arith.constant 0 : i32
        %dma_start3A_622 = arith.constant 0 : i32
        %dma_start3A_623 = tpu.memref_slice %arg11[%run_scoped3A_78, %dma_start3A_621, %dma_start3A_622] : memref<2x128x128xf32, #tpu.memory_space<vmem>> -> memref<1x128x128xf32, #tpu.memory_space<vmem>>
        %dma_start3A_624 = tpu.memref_squeeze %dma_start3A_623 : memref<1x128x128xf32, #tpu.memory_space<vmem>> -> memref<128x128xf32, #tpu.memory_space<vmem>>
        %dma_start3A_625 = arith.constant 0 : i32
        %dma_start3A_626 = tpu.memref_slice %arg10[%rem3A_55, %run_scoped3A_79, %dma_start3A_625] : memref<2x8x128xi32, #tpu.memory_space<vmem>> -> memref<1x1x128xi32, #tpu.memory_space<vmem>>
        %dma_start3A_627 = tpu.memref_squeeze %dma_start3A_626 : memref<1x1x128xi32, #tpu.memory_space<vmem>> -> memref<128xi32, #tpu.memory_space<vmem>>
        %dma_start3A_628 = arith.constant 0 : i32
        %dma_start3A_629 = arith.constant 0 : i32
        %dma_start3A_630 = tpu.memref_slice %arg8[%dma_start3A_628, %dma_start3A_629] : memref<10112x128xf32, #tpu.memory_space<vmem_shared>> -> memref<10112x128xf32, #tpu.memory_space<vmem_shared>>
        tpu.enqueue_indirect_dma source(%dma_start3A_624 : memref<128x128xf32, #tpu.memory_space<vmem>>) target(%dma_start3A_630 : memref<10112x128xf32, #tpu.memory_space<vmem_shared>>) offsets(%dma_start3A_627 : memref<128xi32, #tpu.memory_space<vmem>>) semaphore(%run_scoped3A_620 : memref<!tpu.dma_semaphore, #tpu.memory_space<semaphore_mem>>) {add = true}
        %dma_wait3A_631 = arith.constant 0 : i32
        %dma_wait3A_632 = arith.constant 0 : i32
        %dma_wait3A_633 = tpu.memref_slice %arg11[%run_scoped3A_78, %dma_wait3A_631, %dma_wait3A_632] : memref<2x128x128xf32, #tpu.memory_space<vmem>> -> memref<1x128x128xf32, #tpu.memory_space<vmem>>
        %dma_wait3A_634 = tpu.memref_squeeze %dma_wait3A_633 : memref<1x128x128xf32, #tpu.memory_space<vmem>> -> memref<128x128xf32, #tpu.memory_space<vmem>>
        %dma_wait3A_635 = arith.constant 0 : i32
        %dma_wait3A_636 = tpu.memref_slice %arg10[%rem3A_55, %run_scoped3A_79, %dma_wait3A_635] : memref<2x8x128xi32, #tpu.memory_space<vmem>> -> memref<1x1x128xi32, #tpu.memory_space<vmem>>
        %dma_wait3A_637 = tpu.memref_squeeze %dma_wait3A_636 : memref<1x1x128xi32, #tpu.memory_space<vmem>> -> memref<128xi32, #tpu.memory_space<vmem>>
        %dma_wait3A_638 = arith.constant 0 : i32
        %dma_wait3A_639 = arith.constant 0 : i32
        %dma_wait3A_640 = tpu.memref_slice %arg8[%dma_wait3A_638, %dma_wait3A_639] : memref<10112x128xf32, #tpu.memory_space<vmem_shared>> -> memref<10112x128xf32, #tpu.memory_space<vmem_shared>>
        tpu.wait_indirect_dma semaphore(%run_scoped3A_620 : memref<!tpu.dma_semaphore, #tpu.memory_space<semaphore_mem>>) src(%dma_wait3A_634 : memref<128x128xf32, #tpu.memory_space<vmem>>) dst(%dma_wait3A_640 : memref<10112x128xf32, #tpu.memory_space<vmem_shared>>)
        tpu.yield
      }) : () -> ()
      %get3A = arith.constant 0 : i32
      %get3A_80 = arith.index_cast %rem3A_55 : i32 to index
      %get3A_81 = arith.index_cast %get3A : i32 to index
      %get3A_82 = arith.constant 0 : index
      %get3A_83 = tpu.vector_load %arg10[%get3A_80, %get3A_81, %get3A_82] {strides = array<i32>} : memref<2x8x128xi32, #tpu.memory_space<vmem>>, vector<16xi32>,
      tpu.vector_store_idx %arg12[%get3A_83], %broadcast_in_dim3A_9 {add = true} : memref<10112xf32, #tpu.memory_space<vmem>>[vector<16xi32>], vector<16xf32>,
      %get3A_84 = arith.constant 0 : i32
      %get3A_85 = arith.index_cast %rem3A_55 : i32 to index
      %get3A_86 = arith.index_cast %get3A_84 : i32 to index
      %get3A_87 = arith.constant 16 : index
      %get3A_88 = tpu.vector_load %arg10[%get3A_85, %get3A_86, %get3A_87] {strides = array<i32>} : memref<2x8x128xi32, #tpu.memory_space<vmem>>, vector<16xi32>,
      tpu.vector_store_idx %arg12[%get3A_88], %broadcast_in_dim3A_9 {add = true} : memref<10112xf32, #tpu.memory_space<vmem>>[vector<16xi32>], vector<16xf32>,
      %get3A_89 = arith.constant 0 : i32
      %get3A_90 = arith.index_cast %rem3A_55 : i32 to index
      %get3A_91 = arith.index_cast %get3A_89 : i32 to index
      %get3A_92 = arith.constant 32 : index
      %get3A_93 = tpu.vector_load %arg10[%get3A_90, %get3A_91, %get3A_92] {strides = array<i32>} : memref<2x8x128xi32, #tpu.memory_space<vmem>>, vector<16xi32>,
      tpu.vector_store_idx %arg12[%get3A_93], %broadcast_in_dim3A_9 {add = true} : memref<10112xf32, #tpu.memory_space<vmem>>[vector<16xi32>], vector<16xf32>,
      %get3A_94 = arith.constant 0 : i32
      %get3A_95 = arith.index_cast %rem3A_55 : i32 to index
      %get3A_96 = arith.index_cast %get3A_94 : i32 to index
      %get3A_97 = arith.constant 48 : index
      %get3A_98 = tpu.vector_load %arg10[%get3A_95, %get3A_96, %get3A_97] {strides = array<i32>} : memref<2x8x128xi32, #tpu.memory_space<vmem>>, vector<16xi32>,
      tpu.vector_store_idx %arg12[%get3A_98], %broadcast_in_dim3A_9 {add = true} : memref<10112xf32, #tpu.memory_space<vmem>>[vector<16xi32>], vector<16xf32>,
      %get3A_99 = arith.constant 0 : i32
      %get3A_100 = arith.index_cast %rem3A_55 : i32 to index
      %get3A_101 = arith.index_cast %get3A_99 : i32 to index
      %get3A_102 = arith.constant 64 : index
      %get3A_103 = tpu.vector_load %arg10[%get3A_100, %get3A_101, %get3A_102] {strides = array<i32>} : memref<2x8x128xi32, #tpu.memory_space<vmem>>, vector<16xi32>,
      tpu.vector_store_idx %arg12[%get3A_103], %broadcast_in_dim3A_9 {add = true} : memref<10112xf32, #tpu.memory_space<vmem>>[vector<16xi32>], vector<16xf32>,
      %get3A_104 = arith.constant 0 : i32
      %get3A_105 = arith.index_cast %rem3A_55 : i32 to index
      %get3A_106 = arith.index_cast %get3A_104 : i32 to index
      %get3A_107 = arith.constant 80 : index
      %get3A_108 = tpu.vector_load %arg10[%get3A_105, %get3A_106, %get3A_107] {strides = array<i32>} : memref<2x8x128xi32, #tpu.memory_space<vmem>>, vector<16xi32>,
      tpu.vector_store_idx %arg12[%get3A_108], %broadcast_in_dim3A_9 {add = true} : memref<10112xf32, #tpu.memory_space<vmem>>[vector<16xi32>], vector<16xf32>,
      %get3A_109 = arith.constant 0 : i32
      %get3A_110 = arith.index_cast %rem3A_55 : i32 to index
      %get3A_111 = arith.index_cast %get3A_109 : i32 to index
      %get3A_112 = arith.constant 96 : index
      %get3A_113 = tpu.vector_load %arg10[%get3A_110, %get3A_111, %get3A_112] {strides = array<i32>} : memref<2x8x128xi32, #tpu.memory_space<vmem>>, vector<16xi32>,
      tpu.vector_store_idx %arg12[%get3A_113], %broadcast_in_dim3A_9 {add = true} : memref<10112xf32, #tpu.memory_space<vmem>>[vector<16xi32>], vector<16xf32>,
      %get3A_114 = arith.constant 0 : i32
      %get3A_115 = arith.index_cast %rem3A_55 : i32 to index
      %get3A_116 = arith.index_cast %get3A_114 : i32 to index
      %get3A_117 = arith.constant 112 : index
      %get3A_118 = tpu.vector_load %arg10[%get3A_115, %get3A_116, %get3A_117] {strides = array<i32>} : memref<2x8x128xi32, #tpu.memory_space<vmem>>, vector<16xi32>,
      tpu.vector_store_idx %arg12[%get3A_118], %broadcast_in_dim3A_9 {add = true} : memref<10112xf32, #tpu.memory_space<vmem>>[vector<16xi32>], vector<16xf32>,
      %add3A_119 = arith.constant 2 : i32
      %add3A_120 = arith.addi %add3A_62, %add3A_119 : i32
      %lt3A = arith.constant 160 : i32
      %lt3A_121 = arith.cmpi slt, %add3A_120, %lt3A : i32
      %convert_element_type3A = arith.extui %lt3A_121 : i1 to i32
      %cond3A = arith.constant 0 : i32
      %cond3A_122 = arith.cmpi ne, %convert_element_type3A, %cond3A : i32
      scf.if %cond3A_122 {
        %dma_start3A_620 = arith.constant 2 : i32
        %dma_start3A_621 = arith.constant 0 : i32
        %dma_start3A_622 = arith.constant 0 : i32
        %dma_start3A_623 = arith.constant 0 : i32
        %dma_start3A_624 = tpu.memref_slice %arg11[%dma_start3A_621, %dma_start3A_622, %dma_start3A_623] : memref<2x128x128xf32, #tpu.memory_space<vmem>> -> memref<1x128x128xf32, #tpu.memory_space<vmem>>
        %dma_start3A_625 = tpu.memref_squeeze %dma_start3A_624 : memref<1x128x128xf32, #tpu.memory_space<vmem>> -> memref<128x128xf32, #tpu.memory_space<vmem>>
        %dma_start3A_626 = arith.constant 0 : i32
        %dma_start3A_627 = tpu.memref_slice %arg9[%rem3A_55, %dma_start3A_620, %dma_start3A_626] : memref<2x8x128xi32, #tpu.memory_space<vmem>> -> memref<1x1x128xi32, #tpu.memory_space<vmem>>
        %dma_start3A_628 = tpu.memref_squeeze %dma_start3A_627 : memref<1x1x128xi32, #tpu.memory_space<vmem>> -> memref<128xi32, #tpu.memory_space<vmem>>
        %dma_start3A_629 = arith.constant 0 : i32
        %dma_start3A_630 = arith.constant 0 : i32
        %dma_start3A_631 = tpu.memref_slice %arg2[%arg0, %dma_start3A_629, %dma_start3A_630] : memref<2x10000x128xf32, #tpu.memory_space<hbm>> -> memref<1x10000x128xf32, #tpu.memory_space<hbm>>
        %dma_start3A_632 = tpu.memref_squeeze %dma_start3A_631 : memref<1x10000x128xf32, #tpu.memory_space<hbm>> -> memref<10000x128xf32, #tpu.memory_space<hbm>>
        %dma_start3A_633 = arith.constant 0 : i32
        %dma_start3A_634 = arith.constant 0 : i32
        %dma_start3A_635 = tpu.memref_slice %dma_start3A_632[%dma_start3A_633, %dma_start3A_634] : memref<10000x128xf32, #tpu.memory_space<hbm>> -> memref<10000x128xf32, #tpu.memory_space<hbm>>
        tpu.enqueue_indirect_dma source(%dma_start3A_635 : memref<10000x128xf32, #tpu.memory_space<hbm>>) target(%dma_start3A_625 : memref<128x128xf32, #tpu.memory_space<vmem>>) offsets(%dma_start3A_628 : memref<128xi32, #tpu.memory_space<vmem>>) semaphore(%arg13 : memref<!tpu.dma_semaphore, #tpu.memory_space<semaphore_mem>>)
      } else {
      }
      %mul3A_123 = arith.constant 8 : i32
      %mul3A_124 = arith.muli %scan3A_54, %mul3A_123 : i32
      %add3A_125 = arith.constant 1 : i32
      %add3A_126 = arith.addi %mul3A_124, %add3A_125 : i32
      %dma_wait3A_127 = arith.constant 1 : i32
      %dma_wait3A_128 = arith.constant 1 : i32
      %dma_wait3A_129 = arith.constant 0 : i32
      %dma_wait3A_130 = arith.constant 0 : i32
      %dma_wait3A_131 = tpu.memref_slice %arg11[%dma_wait3A_128, %dma_wait3A_129, %dma_wait3A_130] : memref<2x128x128xf32, #tpu.memory_space<vmem>> -> memref<1x128x128xf32, #tpu.memory_space<vmem>>
      %dma_wait3A_132 = tpu.memref_squeeze %dma_wait3A_131 : memref<1x128x128xf32, #tpu.memory_space<vmem>> -> memref<128x128xf32, #tpu.memory_space<vmem>>
      %dma_wait3A_133 = arith.constant 0 : i32
      %dma_wait3A_134 = tpu.memref_slice %arg9[%rem3A_55, %dma_wait3A_127, %dma_wait3A_133] : memref<2x8x128xi32, #tpu.memory_space<vmem>> -> memref<1x1x128xi32, #tpu.memory_space<vmem>>
      %dma_wait3A_135 = tpu.memref_squeeze %dma_wait3A_134 : memref<1x1x128xi32, #tpu.memory_space<vmem>> -> memref<128xi32, #tpu.memory_space<vmem>>
      %dma_wait3A_136 = arith.constant 0 : i32
      %dma_wait3A_137 = arith.constant 0 : i32
      %dma_wait3A_138 = tpu.memref_slice %arg2[%arg0, %dma_wait3A_136, %dma_wait3A_137] : memref<2x10000x128xf32, #tpu.memory_space<hbm>> -> memref<1x10000x128xf32, #tpu.memory_space<hbm>>
      %dma_wait3A_139 = tpu.memref_squeeze %dma_wait3A_138 : memref<1x10000x128xf32, #tpu.memory_space<hbm>> -> memref<10000x128xf32, #tpu.memory_space<hbm>>
      %dma_wait3A_140 = arith.constant 0 : i32
      %dma_wait3A_141 = arith.constant 0 : i32
      %dma_wait3A_142 = tpu.memref_slice %dma_wait3A_139[%dma_wait3A_140, %dma_wait3A_141] : memref<10000x128xf32, #tpu.memory_space<hbm>> -> memref<10000x128xf32, #tpu.memory_space<hbm>>
      tpu.wait_indirect_dma semaphore(%arg14 : memref<!tpu.dma_semaphore, #tpu.memory_space<semaphore_mem>>) src(%dma_wait3A_142 : memref<10000x128xf32, #tpu.memory_space<hbm>>) dst(%dma_wait3A_132 : memref<128x128xf32, #tpu.memory_space<vmem>>)
      %run_scoped3A_143 = arith.constant 1 : i32
      %run_scoped3A_144 = arith.constant 1 : i32
      "tpu.region"() ({
        %run_scoped3A_620 = tpu.sem_alloc : memref<!tpu.dma_semaphore, #tpu.memory_space<semaphore_mem>>
        %dma_start3A_621 = arith.constant 0 : i32
        %dma_start3A_622 = arith.constant 0 : i32
        %dma_start3A_623 = tpu.memref_slice %arg11[%run_scoped3A_143, %dma_start3A_621, %dma_start3A_622] : memref<2x128x128xf32, #tpu.memory_space<vmem>> -> memref<1x128x128xf32, #tpu.memory_space<vmem>>
        %dma_start3A_624 = tpu.memref_squeeze %dma_start3A_623 : memref<1x128x128xf32, #tpu.memory_space<vmem>> -> memref<128x128xf32, #tpu.memory_space<vmem>>
        %dma_start3A_625 = arith.constant 0 : i32
        %dma_start3A_626 = tpu.memref_slice %arg10[%rem3A_55, %run_scoped3A_144, %dma_start3A_625] : memref<2x8x128xi32, #tpu.memory_space<vmem>> -> memref<1x1x128xi32, #tpu.memory_space<vmem>>
        %dma_start3A_627 = tpu.memref_squeeze %dma_start3A_626 : memref<1x1x128xi32, #tpu.memory_space<vmem>> -> memref<128xi32, #tpu.memory_space<vmem>>
        %dma_start3A_628 = arith.constant 0 : i32
        %dma_start3A_629 = arith.constant 0 : i32
        %dma_start3A_630 = tpu.memref_slice %arg8[%dma_start3A_628, %dma_start3A_629] : memref<10112x128xf32, #tpu.memory_space<vmem_shared>> -> memref<10112x128xf32, #tpu.memory_space<vmem_shared>>
        tpu.enqueue_indirect_dma source(%dma_start3A_624 : memref<128x128xf32, #tpu.memory_space<vmem>>) target(%dma_start3A_630 : memref<10112x128xf32, #tpu.memory_space<vmem_shared>>) offsets(%dma_start3A_627 : memref<128xi32, #tpu.memory_space<vmem>>) semaphore(%run_scoped3A_620 : memref<!tpu.dma_semaphore, #tpu.memory_space<semaphore_mem>>) {add = true}
        %dma_wait3A_631 = arith.constant 0 : i32
        %dma_wait3A_632 = arith.constant 0 : i32
        %dma_wait3A_633 = tpu.memref_slice %arg11[%run_scoped3A_143, %dma_wait3A_631, %dma_wait3A_632] : memref<2x128x128xf32, #tpu.memory_space<vmem>> -> memref<1x128x128xf32, #tpu.memory_space<vmem>>
        %dma_wait3A_634 = tpu.memref_squeeze %dma_wait3A_633 : memref<1x128x128xf32, #tpu.memory_space<vmem>> -> memref<128x128xf32, #tpu.memory_space<vmem>>
        %dma_wait3A_635 = arith.constant 0 : i32
        %dma_wait3A_636 = tpu.memref_slice %arg10[%rem3A_55, %run_scoped3A_144, %dma_wait3A_635] : memref<2x8x128xi32, #tpu.memory_space<vmem>> -> memref<1x1x128xi32, #tpu.memory_space<vmem>>
        %dma_wait3A_637 = tpu.memref_squeeze %dma_wait3A_636 : memref<1x1x128xi32, #tpu.memory_space<vmem>> -> memref<128xi32, #tpu.memory_space<vmem>>
        %dma_wait3A_638 = arith.constant 0 : i32
        %dma_wait3A_639 = arith.constant 0 : i32
        %dma_wait3A_640 = tpu.memref_slice %arg8[%dma_wait3A_638, %dma_wait3A_639] : memref<10112x128xf32, #tpu.memory_space<vmem_shared>> -> memref<10112x128xf32, #tpu.memory_space<vmem_shared>>
        tpu.wait_indirect_dma semaphore(%run_scoped3A_620 : memref<!tpu.dma_semaphore, #tpu.memory_space<semaphore_mem>>) src(%dma_wait3A_634 : memref<128x128xf32, #tpu.memory_space<vmem>>) dst(%dma_wait3A_640 : memref<10112x128xf32, #tpu.memory_space<vmem_shared>>)
        tpu.yield
      }) : () -> ()
      %get3A_145 = arith.constant 1 : i32
      %get3A_146 = arith.index_cast %rem3A_55 : i32 to index
      %get3A_147 = arith.index_cast %get3A_145 : i32 to index
      %get3A_148 = arith.constant 0 : index
      %get3A_149 = tpu.vector_load %arg10[%get3A_146, %get3A_147, %get3A_148] {strides = array<i32>} : memref<2x8x128xi32, #tpu.memory_space<vmem>>, vector<16xi32>,
      tpu.vector_store_idx %arg12[%get3A_149], %broadcast_in_dim3A_9 {add = true} : memref<10112xf32, #tpu.memory_space<vmem>>[vector<16xi32>], vector<16xf32>,
      %get3A_150 = arith.constant 1 : i32
      %get3A_151 = arith.index_cast %rem3A_55 : i32 to index
      %get3A_152 = arith.index_cast %get3A_150 : i32 to index
      %get3A_153 = arith.constant 16 : index
      %get3A_154 = tpu.vector_load %arg10[%get3A_151, %get3A_152, %get3A_153] {strides = array<i32>} : memref<2x8x128xi32, #tpu.memory_space<vmem>>, vector<16xi32>,
      tpu.vector_store_idx %arg12[%get3A_154], %broadcast_in_dim3A_9 {add = true} : memref<10112xf32, #tpu.memory_space<vmem>>[vector<16xi32>], vector<16xf32>,
      %get3A_155 = arith.constant 1 : i32
      %get3A_156 = arith.index_cast %rem3A_55 : i32 to index
      %get3A_157 = arith.index_cast %get3A_155 : i32 to index
      %get3A_158 = arith.constant 32 : index
      %get3A_159 = tpu.vector_load %arg10[%get3A_156, %get3A_157, %get3A_158] {strides = array<i32>} : memref<2x8x128xi32, #tpu.memory_space<vmem>>, vector<16xi32>,
      tpu.vector_store_idx %arg12[%get3A_159], %broadcast_in_dim3A_9 {add = true} : memref<10112xf32, #tpu.memory_space<vmem>>[vector<16xi32>], vector<16xf32>,
      %get3A_160 = arith.constant 1 : i32
      %get3A_161 = arith.index_cast %rem3A_55 : i32 to index
      %get3A_162 = arith.index_cast %get3A_160 : i32 to index
      %get3A_163 = arith.constant 48 : index
      %get3A_164 = tpu.vector_load %arg10[%get3A_161, %get3A_162, %get3A_163] {strides = array<i32>} : memref<2x8x128xi32, #tpu.memory_space<vmem>>, vector<16xi32>,
      tpu.vector_store_idx %arg12[%get3A_164], %broadcast_in_dim3A_9 {add = true} : memref<10112xf32, #tpu.memory_space<vmem>>[vector<16xi32>], vector<16xf32>,
      %get3A_165 = arith.constant 1 : i32
      %get3A_166 = arith.index_cast %rem3A_55 : i32 to index
      %get3A_167 = arith.index_cast %get3A_165 : i32 to index
      %get3A_168 = arith.constant 64 : index
      %get3A_169 = tpu.vector_load %arg10[%get3A_166, %get3A_167, %get3A_168] {strides = array<i32>} : memref<2x8x128xi32, #tpu.memory_space<vmem>>, vector<16xi32>,
      tpu.vector_store_idx %arg12[%get3A_169], %broadcast_in_dim3A_9 {add = true} : memref<10112xf32, #tpu.memory_space<vmem>>[vector<16xi32>], vector<16xf32>,
      %get3A_170 = arith.constant 1 : i32
      %get3A_171 = arith.index_cast %rem3A_55 : i32 to index
      %get3A_172 = arith.index_cast %get3A_170 : i32 to index
      %get3A_173 = arith.constant 80 : index
      %get3A_174 = tpu.vector_load %arg10[%get3A_171, %get3A_172, %get3A_173] {strides = array<i32>} : memref<2x8x128xi32, #tpu.memory_space<vmem>>, vector<16xi32>,
      tpu.vector_store_idx %arg12[%get3A_174], %broadcast_in_dim3A_9 {add = true} : memref<10112xf32, #tpu.memory_space<vmem>>[vector<16xi32>], vector<16xf32>,
      %get3A_175 = arith.constant 1 : i32
      %get3A_176 = arith.index_cast %rem3A_55 : i32 to index
      %get3A_177 = arith.index_cast %get3A_175 : i32 to index
      %get3A_178 = arith.constant 96 : index
      %get3A_179 = tpu.vector_load %arg10[%get3A_176, %get3A_177, %get3A_178] {strides = array<i32>} : memref<2x8x128xi32, #tpu.memory_space<vmem>>, vector<16xi32>,
      tpu.vector_store_idx %arg12[%get3A_179], %broadcast_in_dim3A_9 {add = true} : memref<10112xf32, #tpu.memory_space<vmem>>[vector<16xi32>], vector<16xf32>,
      %get3A_180 = arith.constant 1 : i32
      %get3A_181 = arith.index_cast %rem3A_55 : i32 to index
      %get3A_182 = arith.index_cast %get3A_180 : i32 to index
      %get3A_183 = arith.constant 112 : index
      %get3A_184 = tpu.vector_load %arg10[%get3A_181, %get3A_182, %get3A_183] {strides = array<i32>} : memref<2x8x128xi32, #tpu.memory_space<vmem>>, vector<16xi32>,
      tpu.vector_store_idx %arg12[%get3A_184], %broadcast_in_dim3A_9 {add = true} : memref<10112xf32, #tpu.memory_space<vmem>>[vector<16xi32>], vector<16xf32>,
      %add3A_185 = arith.constant 2 : i32
      %add3A_186 = arith.addi %add3A_126, %add3A_185 : i32
      %lt3A_187 = arith.constant 160 : i32
      %lt3A_188 = arith.cmpi slt, %add3A_186, %lt3A_187 : i32
      %convert_element_type3A_189 = arith.extui %lt3A_188 : i1 to i32
      %cond3A_190 = arith.constant 0 : i32
      %cond3A_191 = arith.cmpi ne, %convert_element_type3A_189, %cond3A_190 : i32
      scf.if %cond3A_191 {
        %dma_start3A_620 = arith.constant 3 : i32
        %dma_start3A_621 = arith.constant 1 : i32
        %dma_start3A_622 = arith.constant 0 : i32
        %dma_start3A_623 = arith.constant 0 : i32
        %dma_start3A_624 = tpu.memref_slice %arg11[%dma_start3A_621, %dma_start3A_622, %dma_start3A_623] : memref<2x128x128xf32, #tpu.memory_space<vmem>> -> memref<1x128x128xf32, #tpu.memory_space<vmem>>
        %dma_start3A_625 = tpu.memref_squeeze %dma_start3A_624 : memref<1x128x128xf32, #tpu.memory_space<vmem>> -> memref<128x128xf32, #tpu.memory_space<vmem>>
        %dma_start3A_626 = arith.constant 0 : i32
        %dma_start3A_627 = tpu.memref_slice %arg9[%rem3A_55, %dma_start3A_620, %dma_start3A_626] : memref<2x8x128xi32, #tpu.memory_space<vmem>> -> memref<1x1x128xi32, #tpu.memory_space<vmem>>
        %dma_start3A_628 = tpu.memref_squeeze %dma_start3A_627 : memref<1x1x128xi32, #tpu.memory_space<vmem>> -> memref<128xi32, #tpu.memory_space<vmem>>
        %dma_start3A_629 = arith.constant 0 : i32
        %dma_start3A_630 = arith.constant 0 : i32
        %dma_start3A_631 = tpu.memref_slice %arg2[%arg0, %dma_start3A_629, %dma_start3A_630] : memref<2x10000x128xf32, #tpu.memory_space<hbm>> -> memref<1x10000x128xf32, #tpu.memory_space<hbm>>
        %dma_start3A_632 = tpu.memref_squeeze %dma_start3A_631 : memref<1x10000x128xf32, #tpu.memory_space<hbm>> -> memref<10000x128xf32, #tpu.memory_space<hbm>>
        %dma_start3A_633 = arith.constant 0 : i32
        %dma_start3A_634 = arith.constant 0 : i32
        %dma_start3A_635 = tpu.memref_slice %dma_start3A_632[%dma_start3A_633, %dma_start3A_634] : memref<10000x128xf32, #tpu.memory_space<hbm>> -> memref<10000x128xf32, #tpu.memory_space<hbm>>
        tpu.enqueue_indirect_dma source(%dma_start3A_635 : memref<10000x128xf32, #tpu.memory_space<hbm>>) target(%dma_start3A_625 : memref<128x128xf32, #tpu.memory_space<vmem>>) offsets(%dma_start3A_628 : memref<128xi32, #tpu.memory_space<vmem>>) semaphore(%arg14 : memref<!tpu.dma_semaphore, #tpu.memory_space<semaphore_mem>>)
      } else {
      }
      %mul3A_192 = arith.constant 8 : i32
      %mul3A_193 = arith.muli %scan3A_54, %mul3A_192 : i32
      %add3A_194 = arith.constant 2 : i32
      %add3A_195 = arith.addi %mul3A_193, %add3A_194 : i32
      %add3A_196 = arith.constant 1 : i32
      %add3A_197 = arith.addi %scan3A_54, %add3A_196 : i32
      %lt3A_198 = arith.constant 20 : i32
      %lt3A_199 = arith.cmpi slt, %add3A_197, %lt3A_198 : i32
      %convert_element_type3A_200 = arith.extui %lt3A_199 : i1 to i32
      %cond3A_201 = arith.constant 0 : i32
      %cond3A_202 = arith.cmpi ne, %convert_element_type3A_200, %cond3A_201 : i32
      scf.if %cond3A_202 {
        %add3A_620 = arith.constant 1 : i32
        %add3A_621 = arith.addi %scan3A_54, %add3A_620 : i32
        %mul3A_622 = arith.constant 8 : i32
        %mul3A_623 = arith.muli %add3A_621, %mul3A_622 : i32
        %dma_start3A_624 = arith.constant 0 : i32
        %dma_start3A_625 = arith.constant 0 : i32
        %dma_start3A_626 = tpu.memref_slice %arg9[%rem3A_58, %dma_start3A_624, %dma_start3A_625] : memref<2x8x128xi32, #tpu.memory_space<vmem>> -> memref<1x8x128xi32, #tpu.memory_space<vmem>>
        %dma_start3A_627 = tpu.memref_squeeze %dma_start3A_626 : memref<1x8x128xi32, #tpu.memory_space<vmem>> -> memref<8x128xi32, #tpu.memory_space<vmem>>
        %dma_start3A_628 = arith.constant 0 : i32
        %dma_start3A_629 = tpu.memref_slice %arg3[%arg0, %arg1, %mul3A_623, %dma_start3A_628] : memref<2x16x160x128xi32, #tpu.memory_space<hbm>> -> memref<1x1x8x128xi32, #tpu.memory_space<hbm>>
        %dma_start3A_630 = tpu.memref_squeeze %dma_start3A_629 : memref<1x1x8x128xi32, #tpu.memory_space<hbm>> -> memref<8x128xi32, #tpu.memory_space<hbm>>
        %dma_start3A_631 = arith.constant 0 : i32
        %dma_start3A_632 = arith.constant 0 : i32
        %dma_start3A_633 = tpu.memref_slice %arg9[%rem3A_58, %dma_start3A_631, %dma_start3A_632] : memref<2x8x128xi32, #tpu.memory_space<vmem>> -> memref<1x8x128xi32, #tpu.memory_space<vmem>>
        %dma_start3A_634 = tpu.memref_squeeze %dma_start3A_633 : memref<1x8x128xi32, #tpu.memory_space<vmem>> -> memref<8x128xi32, #tpu.memory_space<vmem>>
        %dma_start3A_635 = arith.constant 0 : i32
        %dma_start3A_636 = tpu.memref_slice %arg3[%arg0, %arg1, %mul3A_623, %dma_start3A_635] : memref<2x16x160x128xi32, #tpu.memory_space<hbm>> -> memref<1x1x8x128xi32, #tpu.memory_space<hbm>>
        %dma_start3A_637 = tpu.memref_squeeze %dma_start3A_636 : memref<1x1x8x128xi32, #tpu.memory_space<hbm>> -> memref<8x128xi32, #tpu.memory_space<hbm>>
        tpu.enqueue_dma source(%dma_start3A_637 : memref<8x128xi32, #tpu.memory_space<hbm>>) target(%dma_start3A_634 : memref<8x128xi32, #tpu.memory_space<vmem>>) target_semaphore(%arg15 : memref<!tpu.dma_semaphore, #tpu.memory_space<semaphore_mem>>)
        %add3A_638 = arith.constant 1 : i32
        %add3A_639 = arith.addi %scan3A_54, %add3A_638 : i32
        %mul3A_640 = arith.constant 8 : i32
        %mul3A_641 = arith.muli %add3A_639, %mul3A_640 : i32
        %dma_start3A_642 = arith.constant 0 : i32
        %dma_start3A_643 = arith.constant 0 : i32
        %dma_start3A_644 = tpu.memref_slice %arg10[%rem3A_58, %dma_start3A_642, %dma_start3A_643] : memref<2x8x128xi32, #tpu.memory_space<vmem>> -> memref<1x8x128xi32, #tpu.memory_space<vmem>>
        %dma_start3A_645 = tpu.memref_squeeze %dma_start3A_644 : memref<1x8x128xi32, #tpu.memory_space<vmem>> -> memref<8x128xi32, #tpu.memory_space<vmem>>
        %dma_start3A_646 = arith.constant 0 : i32
        %dma_start3A_647 = tpu.memref_slice %arg4[%arg0, %arg1, %mul3A_641, %dma_start3A_646] : memref<2x16x160x128xi32, #tpu.memory_space<hbm>> -> memref<1x1x8x128xi32, #tpu.memory_space<hbm>>
        %dma_start3A_648 = tpu.memref_squeeze %dma_start3A_647 : memref<1x1x8x128xi32, #tpu.memory_space<hbm>> -> memref<8x128xi32, #tpu.memory_space<hbm>>
        %dma_start3A_649 = arith.constant 0 : i32
        %dma_start3A_650 = arith.constant 0 : i32
        %dma_start3A_651 = tpu.memref_slice %arg10[%rem3A_58, %dma_start3A_649, %dma_start3A_650] : memref<2x8x128xi32, #tpu.memory_space<vmem>> -> memref<1x8x128xi32, #tpu.memory_space<vmem>>
        %dma_start3A_652 = tpu.memref_squeeze %dma_start3A_651 : memref<1x8x128xi32, #tpu.memory_space<vmem>> -> memref<8x128xi32, #tpu.memory_space<vmem>>
        %dma_start3A_653 = arith.constant 0 : i32
        %dma_start3A_654 = tpu.memref_slice %arg4[%arg0, %arg1, %mul3A_641, %dma_start3A_653] : memref<2x16x160x128xi32, #tpu.memory_space<hbm>> -> memref<1x1x8x128xi32, #tpu.memory_space<hbm>>
        %dma_start3A_655 = tpu.memref_squeeze %dma_start3A_654 : memref<1x1x8x128xi32, #tpu.memory_space<hbm>> -> memref<8x128xi32, #tpu.memory_space<hbm>>
        tpu.enqueue_dma source(%dma_start3A_655 : memref<8x128xi32, #tpu.memory_space<hbm>>) target(%dma_start3A_652 : memref<8x128xi32, #tpu.memory_space<vmem>>) target_semaphore(%arg15 : memref<!tpu.dma_semaphore, #tpu.memory_space<semaphore_mem>>)
      } else {
      }
      %dma_wait3A_203 = arith.constant 2 : i32
      %dma_wait3A_204 = arith.constant 0 : i32
      %dma_wait3A_205 = arith.constant 0 : i32
      %dma_wait3A_206 = arith.constant 0 : i32
      %dma_wait3A_207 = tpu.memref_slice %arg11[%dma_wait3A_204, %dma_wait3A_205, %dma_wait3A_206] : memref<2x128x128xf32, #tpu.memory_space<vmem>> -> memref<1x128x128xf32, #tpu.memory_space<vmem>>
      %dma_wait3A_208 = tpu.memref_squeeze %dma_wait3A_207 : memref<1x128x128xf32, #tpu.memory_space<vmem>> -> memref<128x128xf32, #tpu.memory_space<vmem>>
      %dma_wait3A_209 = arith.constant 0 : i32
      %dma_wait3A_210 = tpu.memref_slice %arg9[%rem3A_55, %dma_wait3A_203, %dma_wait3A_209] : memref<2x8x128xi32, #tpu.memory_space<vmem>> -> memref<1x1x128xi32, #tpu.memory_space<vmem>>
      %dma_wait3A_211 = tpu.memref_squeeze %dma_wait3A_210 : memref<1x1x128xi32, #tpu.memory_space<vmem>> -> memref<128xi32, #tpu.memory_space<vmem>>
      %dma_wait3A_212 = arith.constant 0 : i32
      %dma_wait3A_213 = arith.constant 0 : i32
      %dma_wait3A_214 = tpu.memref_slice %arg2[%arg0, %dma_wait3A_212, %dma_wait3A_213] : memref<2x10000x128xf32, #tpu.memory_space<hbm>> -> memref<1x10000x128xf32, #tpu.memory_space<hbm>>
      %dma_wait3A_215 = tpu.memref_squeeze %dma_wait3A_214 : memref<1x10000x128xf32, #tpu.memory_space<hbm>> -> memref<10000x128xf32, #tpu.memory_space<hbm>>
      %dma_wait3A_216 = arith.constant 0 : i32
      %dma_wait3A_217 = arith.constant 0 : i32
      %dma_wait3A_218 = tpu.memref_slice %dma_wait3A_215[%dma_wait3A_216, %dma_wait3A_217] : memref<10000x128xf32, #tpu.memory_space<hbm>> -> memref<10000x128xf32, #tpu.memory_space<hbm>>
      tpu.wait_indirect_dma semaphore(%arg13 : memref<!tpu.dma_semaphore, #tpu.memory_space<semaphore_mem>>) src(%dma_wait3A_218 : memref<10000x128xf32, #tpu.memory_space<hbm>>) dst(%dma_wait3A_208 : memref<128x128xf32, #tpu.memory_space<vmem>>)
      %run_scoped3A_219 = arith.constant 0 : i32
      %run_scoped3A_220 = arith.constant 2 : i32
      "tpu.region"() ({
        %run_scoped3A_620 = tpu.sem_alloc : memref<!tpu.dma_semaphore, #tpu.memory_space<semaphore_mem>>
        %dma_start3A_621 = arith.constant 0 : i32
        %dma_start3A_622 = arith.constant 0 : i32
        %dma_start3A_623 = tpu.memref_slice %arg11[%run_scoped3A_219, %dma_start3A_621, %dma_start3A_622] : memref<2x128x128xf32, #tpu.memory_space<vmem>> -> memref<1x128x128xf32, #tpu.memory_space<vmem>>
        %dma_start3A_624 = tpu.memref_squeeze %dma_start3A_623 : memref<1x128x128xf32, #tpu.memory_space<vmem>> -> memref<128x128xf32, #tpu.memory_space<vmem>>
        %dma_start3A_625 = arith.constant 0 : i32
        %dma_start3A_626 = tpu.memref_slice %arg10[%rem3A_55, %run_scoped3A_220, %dma_start3A_625] : memref<2x8x128xi32, #tpu.memory_space<vmem>> -> memref<1x1x128xi32, #tpu.memory_space<vmem>>
        %dma_start3A_627 = tpu.memref_squeeze %dma_start3A_626 : memref<1x1x128xi32, #tpu.memory_space<vmem>> -> memref<128xi32, #tpu.memory_space<vmem>>
        %dma_start3A_628 = arith.constant 0 : i32
        %dma_start3A_629 = arith.constant 0 : i32
        %dma_start3A_630 = tpu.memref_slice %arg8[%dma_start3A_628, %dma_start3A_629] : memref<10112x128xf32, #tpu.memory_space<vmem_shared>> -> memref<10112x128xf32, #tpu.memory_space<vmem_shared>>
        tpu.enqueue_indirect_dma source(%dma_start3A_624 : memref<128x128xf32, #tpu.memory_space<vmem>>) target(%dma_start3A_630 : memref<10112x128xf32, #tpu.memory_space<vmem_shared>>) offsets(%dma_start3A_627 : memref<128xi32, #tpu.memory_space<vmem>>) semaphore(%run_scoped3A_620 : memref<!tpu.dma_semaphore, #tpu.memory_space<semaphore_mem>>) {add = true}
        %dma_wait3A_631 = arith.constant 0 : i32
        %dma_wait3A_632 = arith.constant 0 : i32
        %dma_wait3A_633 = tpu.memref_slice %arg11[%run_scoped3A_219, %dma_wait3A_631, %dma_wait3A_632] : memref<2x128x128xf32, #tpu.memory_space<vmem>> -> memref<1x128x128xf32, #tpu.memory_space<vmem>>
        %dma_wait3A_634 = tpu.memref_squeeze %dma_wait3A_633 : memref<1x128x128xf32, #tpu.memory_space<vmem>> -> memref<128x128xf32, #tpu.memory_space<vmem>>
        %dma_wait3A_635 = arith.constant 0 : i32
        %dma_wait3A_636 = tpu.memref_slice %arg10[%rem3A_55, %run_scoped3A_220, %dma_wait3A_635] : memref<2x8x128xi32, #tpu.memory_space<vmem>> -> memref<1x1x128xi32, #tpu.memory_space<vmem>>
        %dma_wait3A_637 = tpu.memref_squeeze %dma_wait3A_636 : memref<1x1x128xi32, #tpu.memory_space<vmem>> -> memref<128xi32, #tpu.memory_space<vmem>>
        %dma_wait3A_638 = arith.constant 0 : i32
        %dma_wait3A_639 = arith.constant 0 : i32
        %dma_wait3A_640 = tpu.memref_slice %arg8[%dma_wait3A_638, %dma_wait3A_639] : memref<10112x128xf32, #tpu.memory_space<vmem_shared>> -> memref<10112x128xf32, #tpu.memory_space<vmem_shared>>
        tpu.wait_indirect_dma semaphore(%run_scoped3A_620 : memref<!tpu.dma_semaphore, #tpu.memory_space<semaphore_mem>>) src(%dma_wait3A_634 : memref<128x128xf32, #tpu.memory_space<vmem>>) dst(%dma_wait3A_640 : memref<10112x128xf32, #tpu.memory_space<vmem_shared>>)
        tpu.yield
      }) : () -> ()
      %get3A_221 = arith.constant 2 : i32
      %get3A_222 = arith.index_cast %rem3A_55 : i32 to index
      %get3A_223 = arith.index_cast %get3A_221 : i32 to index
      %get3A_224 = arith.constant 0 : index
      %get3A_225 = tpu.vector_load %arg10[%get3A_222, %get3A_223, %get3A_224] {strides = array<i32>} : memref<2x8x128xi32, #tpu.memory_space<vmem>>, vector<16xi32>,
      tpu.vector_store_idx %arg12[%get3A_225], %broadcast_in_dim3A_9 {add = true} : memref<10112xf32, #tpu.memory_space<vmem>>[vector<16xi32>], vector<16xf32>,
      %get3A_226 = arith.constant 2 : i32
      %get3A_227 = arith.index_cast %rem3A_55 : i32 to index
      %get3A_228 = arith.index_cast %get3A_226 : i32 to index
      %get3A_229 = arith.constant 16 : index
      %get3A_230 = tpu.vector_load %arg10[%get3A_227, %get3A_228, %get3A_229] {strides = array<i32>} : memref<2x8x128xi32, #tpu.memory_space<vmem>>, vector<16xi32>,
      tpu.vector_store_idx %arg12[%get3A_230], %broadcast_in_dim3A_9 {add = true} : memref<10112xf32, #tpu.memory_space<vmem>>[vector<16xi32>], vector<16xf32>,
      %get3A_231 = arith.constant 2 : i32
      %get3A_232 = arith.index_cast %rem3A_55 : i32 to index
      %get3A_233 = arith.index_cast %get3A_231 : i32 to index
      %get3A_234 = arith.constant 32 : index
      %get3A_235 = tpu.vector_load %arg10[%get3A_232, %get3A_233, %get3A_234] {strides = array<i32>} : memref<2x8x128xi32, #tpu.memory_space<vmem>>, vector<16xi32>,
      tpu.vector_store_idx %arg12[%get3A_235], %broadcast_in_dim3A_9 {add = true} : memref<10112xf32, #tpu.memory_space<vmem>>[vector<16xi32>], vector<16xf32>,
      %get3A_236 = arith.constant 2 : i32
      %get3A_237 = arith.index_cast %rem3A_55 : i32 to index
      %get3A_238 = arith.index_cast %get3A_236 : i32 to index
      %get3A_239 = arith.constant 48 : index
      %get3A_240 = tpu.vector_load %arg10[%get3A_237, %get3A_238, %get3A_239] {strides = array<i32>} : memref<2x8x128xi32, #tpu.memory_space<vmem>>, vector<16xi32>,
      tpu.vector_store_idx %arg12[%get3A_240], %broadcast_in_dim3A_9 {add = true} : memref<10112xf32, #tpu.memory_space<vmem>>[vector<16xi32>], vector<16xf32>,
      %get3A_241 = arith.constant 2 : i32
      %get3A_242 = arith.index_cast %rem3A_55 : i32 to index
      %get3A_243 = arith.index_cast %get3A_241 : i32 to index
      %get3A_244 = arith.constant 64 : index
      %get3A_245 = tpu.vector_load %arg10[%get3A_242, %get3A_243, %get3A_244] {strides = array<i32>} : memref<2x8x128xi32, #tpu.memory_space<vmem>>, vector<16xi32>,
      tpu.vector_store_idx %arg12[%get3A_245], %broadcast_in_dim3A_9 {add = true} : memref<10112xf32, #tpu.memory_space<vmem>>[vector<16xi32>], vector<16xf32>,
      %get3A_246 = arith.constant 2 : i32
      %get3A_247 = arith.index_cast %rem3A_55 : i32 to index
      %get3A_248 = arith.index_cast %get3A_246 : i32 to index
      %get3A_249 = arith.constant 80 : index
      %get3A_250 = tpu.vector_load %arg10[%get3A_247, %get3A_248, %get3A_249] {strides = array<i32>} : memref<2x8x128xi32, #tpu.memory_space<vmem>>, vector<16xi32>,
      tpu.vector_store_idx %arg12[%get3A_250], %broadcast_in_dim3A_9 {add = true} : memref<10112xf32, #tpu.memory_space<vmem>>[vector<16xi32>], vector<16xf32>,
      %get3A_251 = arith.constant 2 : i32
      %get3A_252 = arith.index_cast %rem3A_55 : i32 to index
      %get3A_253 = arith.index_cast %get3A_251 : i32 to index
      %get3A_254 = arith.constant 96 : index
      %get3A_255 = tpu.vector_load %arg10[%get3A_252, %get3A_253, %get3A_254] {strides = array<i32>} : memref<2x8x128xi32, #tpu.memory_space<vmem>>, vector<16xi32>,
      tpu.vector_store_idx %arg12[%get3A_255], %broadcast_in_dim3A_9 {add = true} : memref<10112xf32, #tpu.memory_space<vmem>>[vector<16xi32>], vector<16xf32>,
      %get3A_256 = arith.constant 2 : i32
      %get3A_257 = arith.index_cast %rem3A_55 : i32 to index
      %get3A_258 = arith.index_cast %get3A_256 : i32 to index
      %get3A_259 = arith.constant 112 : index
      %get3A_260 = tpu.vector_load %arg10[%get3A_257, %get3A_258, %get3A_259] {strides = array<i32>} : memref<2x8x128xi32, #tpu.memory_space<vmem>>, vector<16xi32>,
      tpu.vector_store_idx %arg12[%get3A_260], %broadcast_in_dim3A_9 {add = true} : memref<10112xf32, #tpu.memory_space<vmem>>[vector<16xi32>], vector<16xf32>,
      %add3A_261 = arith.constant 2 : i32
      %add3A_262 = arith.addi %add3A_195, %add3A_261 : i32
      %lt3A_263 = arith.constant 160 : i32
      %lt3A_264 = arith.cmpi slt, %add3A_262, %lt3A_263 : i32
      %convert_element_type3A_265 = arith.extui %lt3A_264 : i1 to i32
      %cond3A_266 = arith.constant 0 : i32
      %cond3A_267 = arith.cmpi ne, %convert_element_type3A_265, %cond3A_266 : i32
      scf.if %cond3A_267 {
        %dma_start3A_620 = arith.constant 4 : i32
        %dma_start3A_621 = arith.constant 0 : i32
        %dma_start3A_622 = arith.constant 0 : i32
        %dma_start3A_623 = arith.constant 0 : i32
        %dma_start3A_624 = tpu.memref_slice %arg11[%dma_start3A_621, %dma_start3A_622, %dma_start3A_623] : memref<2x128x128xf32, #tpu.memory_space<vmem>> -> memref<1x128x128xf32, #tpu.memory_space<vmem>>
        %dma_start3A_625 = tpu.memref_squeeze %dma_start3A_624 : memref<1x128x128xf32, #tpu.memory_space<vmem>> -> memref<128x128xf32, #tpu.memory_space<vmem>>
        %dma_start3A_626 = arith.constant 0 : i32
        %dma_start3A_627 = tpu.memref_slice %arg9[%rem3A_55, %dma_start3A_620, %dma_start3A_626] : memref<2x8x128xi32, #tpu.memory_space<vmem>> -> memref<1x1x128xi32, #tpu.memory_space<vmem>>
        %dma_start3A_628 = tpu.memref_squeeze %dma_start3A_627 : memref<1x1x128xi32, #tpu.memory_space<vmem>> -> memref<128xi32, #tpu.memory_space<vmem>>
        %dma_start3A_629 = arith.constant 0 : i32
        %dma_start3A_630 = arith.constant 0 : i32
        %dma_start3A_631 = tpu.memref_slice %arg2[%arg0, %dma_start3A_629, %dma_start3A_630] : memref<2x10000x128xf32, #tpu.memory_space<hbm>> -> memref<1x10000x128xf32, #tpu.memory_space<hbm>>
        %dma_start3A_632 = tpu.memref_squeeze %dma_start3A_631 : memref<1x10000x128xf32, #tpu.memory_space<hbm>> -> memref<10000x128xf32, #tpu.memory_space<hbm>>
        %dma_start3A_633 = arith.constant 0 : i32
        %dma_start3A_634 = arith.constant 0 : i32
        %dma_start3A_635 = tpu.memref_slice %dma_start3A_632[%dma_start3A_633, %dma_start3A_634] : memref<10000x128xf32, #tpu.memory_space<hbm>> -> memref<10000x128xf32, #tpu.memory_space<hbm>>
        tpu.enqueue_indirect_dma source(%dma_start3A_635 : memref<10000x128xf32, #tpu.memory_space<hbm>>) target(%dma_start3A_625 : memref<128x128xf32, #tpu.memory_space<vmem>>) offsets(%dma_start3A_628 : memref<128xi32, #tpu.memory_space<vmem>>) semaphore(%arg13 : memref<!tpu.dma_semaphore, #tpu.memory_space<semaphore_mem>>)
      } else {
      }
      %mul3A_268 = arith.constant 8 : i32
      %mul3A_269 = arith.muli %scan3A_54, %mul3A_268 : i32
      %add3A_270 = arith.constant 3 : i32
      %add3A_271 = arith.addi %mul3A_269, %add3A_270 : i32
      %dma_wait3A_272 = arith.constant 3 : i32
      %dma_wait3A_273 = arith.constant 1 : i32
      %dma_wait3A_274 = arith.constant 0 : i32
      %dma_wait3A_275 = arith.constant 0 : i32
      %dma_wait3A_276 = tpu.memref_slice %arg11[%dma_wait3A_273, %dma_wait3A_274, %dma_wait3A_275] : memref<2x128x128xf32, #tpu.memory_space<vmem>> -> memref<1x128x128xf32, #tpu.memory_space<vmem>>
      %dma_wait3A_277 = tpu.memref_squeeze %dma_wait3A_276 : memref<1x128x128xf32, #tpu.memory_space<vmem>> -> memref<128x128xf32, #tpu.memory_space<vmem>>
      %dma_wait3A_278 = arith.constant 0 : i32
      %dma_wait3A_279 = tpu.memref_slice %arg9[%rem3A_55, %dma_wait3A_272, %dma_wait3A_278] : memref<2x8x128xi32, #tpu.memory_space<vmem>> -> memref<1x1x128xi32, #tpu.memory_space<vmem>>
      %dma_wait3A_280 = tpu.memref_squeeze %dma_wait3A_279 : memref<1x1x128xi32, #tpu.memory_space<vmem>> -> memref<128xi32, #tpu.memory_space<vmem>>
      %dma_wait3A_281 = arith.constant 0 : i32
      %dma_wait3A_282 = arith.constant 0 : i32
      %dma_wait3A_283 = tpu.memref_slice %arg2[%arg0, %dma_wait3A_281, %dma_wait3A_282] : memref<2x10000x128xf32, #tpu.memory_space<hbm>> -> memref<1x10000x128xf32, #tpu.memory_space<hbm>>
      %dma_wait3A_284 = tpu.memref_squeeze %dma_wait3A_283 : memref<1x10000x128xf32, #tpu.memory_space<hbm>> -> memref<10000x128xf32, #tpu.memory_space<hbm>>
      %dma_wait3A_285 = arith.constant 0 : i32
      %dma_wait3A_286 = arith.constant 0 : i32
      %dma_wait3A_287 = tpu.memref_slice %dma_wait3A_284[%dma_wait3A_285, %dma_wait3A_286] : memref<10000x128xf32, #tpu.memory_space<hbm>> -> memref<10000x128xf32, #tpu.memory_space<hbm>>
      tpu.wait_indirect_dma semaphore(%arg14 : memref<!tpu.dma_semaphore, #tpu.memory_space<semaphore_mem>>) src(%dma_wait3A_287 : memref<10000x128xf32, #tpu.memory_space<hbm>>) dst(%dma_wait3A_277 : memref<128x128xf32, #tpu.memory_space<vmem>>)
      %run_scoped3A_288 = arith.constant 1 : i32
      %run_scoped3A_289 = arith.constant 3 : i32
      "tpu.region"() ({
        %run_scoped3A_620 = tpu.sem_alloc : memref<!tpu.dma_semaphore, #tpu.memory_space<semaphore_mem>>
        %dma_start3A_621 = arith.constant 0 : i32
        %dma_start3A_622 = arith.constant 0 : i32
        %dma_start3A_623 = tpu.memref_slice %arg11[%run_scoped3A_288, %dma_start3A_621, %dma_start3A_622] : memref<2x128x128xf32, #tpu.memory_space<vmem>> -> memref<1x128x128xf32, #tpu.memory_space<vmem>>
        %dma_start3A_624 = tpu.memref_squeeze %dma_start3A_623 : memref<1x128x128xf32, #tpu.memory_space<vmem>> -> memref<128x128xf32, #tpu.memory_space<vmem>>
        %dma_start3A_625 = arith.constant 0 : i32
        %dma_start3A_626 = tpu.memref_slice %arg10[%rem3A_55, %run_scoped3A_289, %dma_start3A_625] : memref<2x8x128xi32, #tpu.memory_space<vmem>> -> memref<1x1x128xi32, #tpu.memory_space<vmem>>
        %dma_start3A_627 = tpu.memref_squeeze %dma_start3A_626 : memref<1x1x128xi32, #tpu.memory_space<vmem>> -> memref<128xi32, #tpu.memory_space<vmem>>
        %dma_start3A_628 = arith.constant 0 : i32
        %dma_start3A_629 = arith.constant 0 : i32
        %dma_start3A_630 = tpu.memref_slice %arg8[%dma_start3A_628, %dma_start3A_629] : memref<10112x128xf32, #tpu.memory_space<vmem_shared>> -> memref<10112x128xf32, #tpu.memory_space<vmem_shared>>
        tpu.enqueue_indirect_dma source(%dma_start3A_624 : memref<128x128xf32, #tpu.memory_space<vmem>>) target(%dma_start3A_630 : memref<10112x128xf32, #tpu.memory_space<vmem_shared>>) offsets(%dma_start3A_627 : memref<128xi32, #tpu.memory_space<vmem>>) semaphore(%run_scoped3A_620 : memref<!tpu.dma_semaphore, #tpu.memory_space<semaphore_mem>>) {add = true}
        %dma_wait3A_631 = arith.constant 0 : i32
        %dma_wait3A_632 = arith.constant 0 : i32
        %dma_wait3A_633 = tpu.memref_slice %arg11[%run_scoped3A_288, %dma_wait3A_631, %dma_wait3A_632] : memref<2x128x128xf32, #tpu.memory_space<vmem>> -> memref<1x128x128xf32, #tpu.memory_space<vmem>>
        %dma_wait3A_634 = tpu.memref_squeeze %dma_wait3A_633 : memref<1x128x128xf32, #tpu.memory_space<vmem>> -> memref<128x128xf32, #tpu.memory_space<vmem>>
        %dma_wait3A_635 = arith.constant 0 : i32
        %dma_wait3A_636 = tpu.memref_slice %arg10[%rem3A_55, %run_scoped3A_289, %dma_wait3A_635] : memref<2x8x128xi32, #tpu.memory_space<vmem>> -> memref<1x1x128xi32, #tpu.memory_space<vmem>>
        %dma_wait3A_637 = tpu.memref_squeeze %dma_wait3A_636 : memref<1x1x128xi32, #tpu.memory_space<vmem>> -> memref<128xi32, #tpu.memory_space<vmem>>
        %dma_wait3A_638 = arith.constant 0 : i32
        %dma_wait3A_639 = arith.constant 0 : i32
        %dma_wait3A_640 = tpu.memref_slice %arg8[%dma_wait3A_638, %dma_wait3A_639] : memref<10112x128xf32, #tpu.memory_space<vmem_shared>> -> memref<10112x128xf32, #tpu.memory_space<vmem_shared>>
        tpu.wait_indirect_dma semaphore(%run_scoped3A_620 : memref<!tpu.dma_semaphore, #tpu.memory_space<semaphore_mem>>) src(%dma_wait3A_634 : memref<128x128xf32, #tpu.memory_space<vmem>>) dst(%dma_wait3A_640 : memref<10112x128xf32, #tpu.memory_space<vmem_shared>>)
        tpu.yield
      }) : () -> ()
      %get3A_290 = arith.constant 3 : i32
      %get3A_291 = arith.index_cast %rem3A_55 : i32 to index
      %get3A_292 = arith.index_cast %get3A_290 : i32 to index
      %get3A_293 = arith.constant 0 : index
      %get3A_294 = tpu.vector_load %arg10[%get3A_291, %get3A_292, %get3A_293] {strides = array<i32>} : memref<2x8x128xi32, #tpu.memory_space<vmem>>, vector<16xi32>,
      tpu.vector_store_idx %arg12[%get3A_294], %broadcast_in_dim3A_9 {add = true} : memref<10112xf32, #tpu.memory_space<vmem>>[vector<16xi32>], vector<16xf32>,
      %get3A_295 = arith.constant 3 : i32
      %get3A_296 = arith.index_cast %rem3A_55 : i32 to index
      %get3A_297 = arith.index_cast %get3A_295 : i32 to index
      %get3A_298 = arith.constant 16 : index
      %get3A_299 = tpu.vector_load %arg10[%get3A_296, %get3A_297, %get3A_298] {strides = array<i32>} : memref<2x8x128xi32, #tpu.memory_space<vmem>>, vector<16xi32>,
      tpu.vector_store_idx %arg12[%get3A_299], %broadcast_in_dim3A_9 {add = true} : memref<10112xf32, #tpu.memory_space<vmem>>[vector<16xi32>], vector<16xf32>,
      %get3A_300 = arith.constant 3 : i32
      %get3A_301 = arith.index_cast %rem3A_55 : i32 to index
      %get3A_302 = arith.index_cast %get3A_300 : i32 to index
      %get3A_303 = arith.constant 32 : index
      %get3A_304 = tpu.vector_load %arg10[%get3A_301, %get3A_302, %get3A_303] {strides = array<i32>} : memref<2x8x128xi32, #tpu.memory_space<vmem>>, vector<16xi32>,
      tpu.vector_store_idx %arg12[%get3A_304], %broadcast_in_dim3A_9 {add = true} : memref<10112xf32, #tpu.memory_space<vmem>>[vector<16xi32>], vector<16xf32>,
      %get3A_305 = arith.constant 3 : i32
      %get3A_306 = arith.index_cast %rem3A_55 : i32 to index
      %get3A_307 = arith.index_cast %get3A_305 : i32 to index
      %get3A_308 = arith.constant 48 : index
      %get3A_309 = tpu.vector_load %arg10[%get3A_306, %get3A_307, %get3A_308] {strides = array<i32>} : memref<2x8x128xi32, #tpu.memory_space<vmem>>, vector<16xi32>,
      tpu.vector_store_idx %arg12[%get3A_309], %broadcast_in_dim3A_9 {add = true} : memref<10112xf32, #tpu.memory_space<vmem>>[vector<16xi32>], vector<16xf32>,
      %get3A_310 = arith.constant 3 : i32
      %get3A_311 = arith.index_cast %rem3A_55 : i32 to index
      %get3A_312 = arith.index_cast %get3A_310 : i32 to index
      %get3A_313 = arith.constant 64 : index
      %get3A_314 = tpu.vector_load %arg10[%get3A_311, %get3A_312, %get3A_313] {strides = array<i32>} : memref<2x8x128xi32, #tpu.memory_space<vmem>>, vector<16xi32>,
      tpu.vector_store_idx %arg12[%get3A_314], %broadcast_in_dim3A_9 {add = true} : memref<10112xf32, #tpu.memory_space<vmem>>[vector<16xi32>], vector<16xf32>,
      %get3A_315 = arith.constant 3 : i32
      %get3A_316 = arith.index_cast %rem3A_55 : i32 to index
      %get3A_317 = arith.index_cast %get3A_315 : i32 to index
      %get3A_318 = arith.constant 80 : index
      %get3A_319 = tpu.vector_load %arg10[%get3A_316, %get3A_317, %get3A_318] {strides = array<i32>} : memref<2x8x128xi32, #tpu.memory_space<vmem>>, vector<16xi32>,
      tpu.vector_store_idx %arg12[%get3A_319], %broadcast_in_dim3A_9 {add = true} : memref<10112xf32, #tpu.memory_space<vmem>>[vector<16xi32>], vector<16xf32>,
      %get3A_320 = arith.constant 3 : i32
      %get3A_321 = arith.index_cast %rem3A_55 : i32 to index
      %get3A_322 = arith.index_cast %get3A_320 : i32 to index
      %get3A_323 = arith.constant 96 : index
      %get3A_324 = tpu.vector_load %arg10[%get3A_321, %get3A_322, %get3A_323] {strides = array<i32>} : memref<2x8x128xi32, #tpu.memory_space<vmem>>, vector<16xi32>,
      tpu.vector_store_idx %arg12[%get3A_324], %broadcast_in_dim3A_9 {add = true} : memref<10112xf32, #tpu.memory_space<vmem>>[vector<16xi32>], vector<16xf32>,
      %get3A_325 = arith.constant 3 : i32
      %get3A_326 = arith.index_cast %rem3A_55 : i32 to index
      %get3A_327 = arith.index_cast %get3A_325 : i32 to index
      %get3A_328 = arith.constant 112 : index
      %get3A_329 = tpu.vector_load %arg10[%get3A_326, %get3A_327, %get3A_328] {strides = array<i32>} : memref<2x8x128xi32, #tpu.memory_space<vmem>>, vector<16xi32>,
      tpu.vector_store_idx %arg12[%get3A_329], %broadcast_in_dim3A_9 {add = true} : memref<10112xf32, #tpu.memory_space<vmem>>[vector<16xi32>], vector<16xf32>,
      %add3A_330 = arith.constant 2 : i32
      %add3A_331 = arith.addi %add3A_271, %add3A_330 : i32
      %lt3A_332 = arith.constant 160 : i32
      %lt3A_333 = arith.cmpi slt, %add3A_331, %lt3A_332 : i32
      %convert_element_type3A_334 = arith.extui %lt3A_333 : i1 to i32
      %cond3A_335 = arith.constant 0 : i32
      %cond3A_336 = arith.cmpi ne, %convert_element_type3A_334, %cond3A_335 : i32
      scf.if %cond3A_336 {
        %dma_start3A_620 = arith.constant 5 : i32
        %dma_start3A_621 = arith.constant 1 : i32
        %dma_start3A_622 = arith.constant 0 : i32
        %dma_start3A_623 = arith.constant 0 : i32
        %dma_start3A_624 = tpu.memref_slice %arg11[%dma_start3A_621, %dma_start3A_622, %dma_start3A_623] : memref<2x128x128xf32, #tpu.memory_space<vmem>> -> memref<1x128x128xf32, #tpu.memory_space<vmem>>
        %dma_start3A_625 = tpu.memref_squeeze %dma_start3A_624 : memref<1x128x128xf32, #tpu.memory_space<vmem>> -> memref<128x128xf32, #tpu.memory_space<vmem>>
        %dma_start3A_626 = arith.constant 0 : i32
        %dma_start3A_627 = tpu.memref_slice %arg9[%rem3A_55, %dma_start3A_620, %dma_start3A_626] : memref<2x8x128xi32, #tpu.memory_space<vmem>> -> memref<1x1x128xi32, #tpu.memory_space<vmem>>
        %dma_start3A_628 = tpu.memref_squeeze %dma_start3A_627 : memref<1x1x128xi32, #tpu.memory_space<vmem>> -> memref<128xi32, #tpu.memory_space<vmem>>
        %dma_start3A_629 = arith.constant 0 : i32
        %dma_start3A_630 = arith.constant 0 : i32
        %dma_start3A_631 = tpu.memref_slice %arg2[%arg0, %dma_start3A_629, %dma_start3A_630] : memref<2x10000x128xf32, #tpu.memory_space<hbm>> -> memref<1x10000x128xf32, #tpu.memory_space<hbm>>
        %dma_start3A_632 = tpu.memref_squeeze %dma_start3A_631 : memref<1x10000x128xf32, #tpu.memory_space<hbm>> -> memref<10000x128xf32, #tpu.memory_space<hbm>>
        %dma_start3A_633 = arith.constant 0 : i32
        %dma_start3A_634 = arith.constant 0 : i32
        %dma_start3A_635 = tpu.memref_slice %dma_start3A_632[%dma_start3A_633, %dma_start3A_634] : memref<10000x128xf32, #tpu.memory_space<hbm>> -> memref<10000x128xf32, #tpu.memory_space<hbm>>
        tpu.enqueue_indirect_dma source(%dma_start3A_635 : memref<10000x128xf32, #tpu.memory_space<hbm>>) target(%dma_start3A_625 : memref<128x128xf32, #tpu.memory_space<vmem>>) offsets(%dma_start3A_628 : memref<128xi32, #tpu.memory_space<vmem>>) semaphore(%arg14 : memref<!tpu.dma_semaphore, #tpu.memory_space<semaphore_mem>>)
      } else {
      }
      %mul3A_337 = arith.constant 8 : i32
      %mul3A_338 = arith.muli %scan3A_54, %mul3A_337 : i32
      %add3A_339 = arith.constant 4 : i32
      %add3A_340 = arith.addi %mul3A_338, %add3A_339 : i32
      %dma_wait3A_341 = arith.constant 4 : i32
      %dma_wait3A_342 = arith.constant 0 : i32
      %dma_wait3A_343 = arith.constant 0 : i32
      %dma_wait3A_344 = arith.constant 0 : i32
      %dma_wait3A_345 = tpu.memref_slice %arg11[%dma_wait3A_342, %dma_wait3A_343, %dma_wait3A_344] : memref<2x128x128xf32, #tpu.memory_space<vmem>> -> memref<1x128x128xf32, #tpu.memory_space<vmem>>
      %dma_wait3A_346 = tpu.memref_squeeze %dma_wait3A_345 : memref<1x128x128xf32, #tpu.memory_space<vmem>> -> memref<128x128xf32, #tpu.memory_space<vmem>>
      %dma_wait3A_347 = arith.constant 0 : i32
      %dma_wait3A_348 = tpu.memref_slice %arg9[%rem3A_55, %dma_wait3A_341, %dma_wait3A_347] : memref<2x8x128xi32, #tpu.memory_space<vmem>> -> memref<1x1x128xi32, #tpu.memory_space<vmem>>
      %dma_wait3A_349 = tpu.memref_squeeze %dma_wait3A_348 : memref<1x1x128xi32, #tpu.memory_space<vmem>> -> memref<128xi32, #tpu.memory_space<vmem>>
      %dma_wait3A_350 = arith.constant 0 : i32
      %dma_wait3A_351 = arith.constant 0 : i32
      %dma_wait3A_352 = tpu.memref_slice %arg2[%arg0, %dma_wait3A_350, %dma_wait3A_351] : memref<2x10000x128xf32, #tpu.memory_space<hbm>> -> memref<1x10000x128xf32, #tpu.memory_space<hbm>>
      %dma_wait3A_353 = tpu.memref_squeeze %dma_wait3A_352 : memref<1x10000x128xf32, #tpu.memory_space<hbm>> -> memref<10000x128xf32, #tpu.memory_space<hbm>>
      %dma_wait3A_354 = arith.constant 0 : i32
      %dma_wait3A_355 = arith.constant 0 : i32
      %dma_wait3A_356 = tpu.memref_slice %dma_wait3A_353[%dma_wait3A_354, %dma_wait3A_355] : memref<10000x128xf32, #tpu.memory_space<hbm>> -> memref<10000x128xf32, #tpu.memory_space<hbm>>
      tpu.wait_indirect_dma semaphore(%arg13 : memref<!tpu.dma_semaphore, #tpu.memory_space<semaphore_mem>>) src(%dma_wait3A_356 : memref<10000x128xf32, #tpu.memory_space<hbm>>) dst(%dma_wait3A_346 : memref<128x128xf32, #tpu.memory_space<vmem>>)
      %run_scoped3A_357 = arith.constant 0 : i32
      %run_scoped3A_358 = arith.constant 4 : i32
      "tpu.region"() ({
        %run_scoped3A_620 = tpu.sem_alloc : memref<!tpu.dma_semaphore, #tpu.memory_space<semaphore_mem>>
        %dma_start3A_621 = arith.constant 0 : i32
        %dma_start3A_622 = arith.constant 0 : i32
        %dma_start3A_623 = tpu.memref_slice %arg11[%run_scoped3A_357, %dma_start3A_621, %dma_start3A_622] : memref<2x128x128xf32, #tpu.memory_space<vmem>> -> memref<1x128x128xf32, #tpu.memory_space<vmem>>
        %dma_start3A_624 = tpu.memref_squeeze %dma_start3A_623 : memref<1x128x128xf32, #tpu.memory_space<vmem>> -> memref<128x128xf32, #tpu.memory_space<vmem>>
        %dma_start3A_625 = arith.constant 0 : i32
        %dma_start3A_626 = tpu.memref_slice %arg10[%rem3A_55, %run_scoped3A_358, %dma_start3A_625] : memref<2x8x128xi32, #tpu.memory_space<vmem>> -> memref<1x1x128xi32, #tpu.memory_space<vmem>>
        %dma_start3A_627 = tpu.memref_squeeze %dma_start3A_626 : memref<1x1x128xi32, #tpu.memory_space<vmem>> -> memref<128xi32, #tpu.memory_space<vmem>>
        %dma_start3A_628 = arith.constant 0 : i32
        %dma_start3A_629 = arith.constant 0 : i32
        %dma_start3A_630 = tpu.memref_slice %arg8[%dma_start3A_628, %dma_start3A_629] : memref<10112x128xf32, #tpu.memory_space<vmem_shared>> -> memref<10112x128xf32, #tpu.memory_space<vmem_shared>>
        tpu.enqueue_indirect_dma source(%dma_start3A_624 : memref<128x128xf32, #tpu.memory_space<vmem>>) target(%dma_start3A_630 : memref<10112x128xf32, #tpu.memory_space<vmem_shared>>) offsets(%dma_start3A_627 : memref<128xi32, #tpu.memory_space<vmem>>) semaphore(%run_scoped3A_620 : memref<!tpu.dma_semaphore, #tpu.memory_space<semaphore_mem>>) {add = true}
        %dma_wait3A_631 = arith.constant 0 : i32
        %dma_wait3A_632 = arith.constant 0 : i32
        %dma_wait3A_633 = tpu.memref_slice %arg11[%run_scoped3A_357, %dma_wait3A_631, %dma_wait3A_632] : memref<2x128x128xf32, #tpu.memory_space<vmem>> -> memref<1x128x128xf32, #tpu.memory_space<vmem>>
        %dma_wait3A_634 = tpu.memref_squeeze %dma_wait3A_633 : memref<1x128x128xf32, #tpu.memory_space<vmem>> -> memref<128x128xf32, #tpu.memory_space<vmem>>
        %dma_wait3A_635 = arith.constant 0 : i32
        %dma_wait3A_636 = tpu.memref_slice %arg10[%rem3A_55, %run_scoped3A_358, %dma_wait3A_635] : memref<2x8x128xi32, #tpu.memory_space<vmem>> -> memref<1x1x128xi32, #tpu.memory_space<vmem>>
        %dma_wait3A_637 = tpu.memref_squeeze %dma_wait3A_636 : memref<1x1x128xi32, #tpu.memory_space<vmem>> -> memref<128xi32, #tpu.memory_space<vmem>>
        %dma_wait3A_638 = arith.constant 0 : i32
        %dma_wait3A_639 = arith.constant 0 : i32
        %dma_wait3A_640 = tpu.memref_slice %arg8[%dma_wait3A_638, %dma_wait3A_639] : memref<10112x128xf32, #tpu.memory_space<vmem_shared>> -> memref<10112x128xf32, #tpu.memory_space<vmem_shared>>
        tpu.wait_indirect_dma semaphore(%run_scoped3A_620 : memref<!tpu.dma_semaphore, #tpu.memory_space<semaphore_mem>>) src(%dma_wait3A_634 : memref<128x128xf32, #tpu.memory_space<vmem>>) dst(%dma_wait3A_640 : memref<10112x128xf32, #tpu.memory_space<vmem_shared>>)
        tpu.yield
      }) : () -> ()
      %get3A_359 = arith.constant 4 : i32
      %get3A_360 = arith.index_cast %rem3A_55 : i32 to index
      %get3A_361 = arith.index_cast %get3A_359 : i32 to index
      %get3A_362 = arith.constant 0 : index
      %get3A_363 = tpu.vector_load %arg10[%get3A_360, %get3A_361, %get3A_362] {strides = array<i32>} : memref<2x8x128xi32, #tpu.memory_space<vmem>>, vector<16xi32>,
      tpu.vector_store_idx %arg12[%get3A_363], %broadcast_in_dim3A_9 {add = true} : memref<10112xf32, #tpu.memory_space<vmem>>[vector<16xi32>], vector<16xf32>,
      %get3A_364 = arith.constant 4 : i32
      %get3A_365 = arith.index_cast %rem3A_55 : i32 to index
      %get3A_366 = arith.index_cast %get3A_364 : i32 to index
      %get3A_367 = arith.constant 16 : index
      %get3A_368 = tpu.vector_load %arg10[%get3A_365, %get3A_366, %get3A_367] {strides = array<i32>} : memref<2x8x128xi32, #tpu.memory_space<vmem>>, vector<16xi32>,
      tpu.vector_store_idx %arg12[%get3A_368], %broadcast_in_dim3A_9 {add = true} : memref<10112xf32, #tpu.memory_space<vmem>>[vector<16xi32>], vector<16xf32>,
      %get3A_369 = arith.constant 4 : i32
      %get3A_370 = arith.index_cast %rem3A_55 : i32 to index
      %get3A_371 = arith.index_cast %get3A_369 : i32 to index
      %get3A_372 = arith.constant 32 : index
      %get3A_373 = tpu.vector_load %arg10[%get3A_370, %get3A_371, %get3A_372] {strides = array<i32>} : memref<2x8x128xi32, #tpu.memory_space<vmem>>, vector<16xi32>,
      tpu.vector_store_idx %arg12[%get3A_373], %broadcast_in_dim3A_9 {add = true} : memref<10112xf32, #tpu.memory_space<vmem>>[vector<16xi32>], vector<16xf32>,
      %get3A_374 = arith.constant 4 : i32
      %get3A_375 = arith.index_cast %rem3A_55 : i32 to index
      %get3A_376 = arith.index_cast %get3A_374 : i32 to index
      %get3A_377 = arith.constant 48 : index
      %get3A_378 = tpu.vector_load %arg10[%get3A_375, %get3A_376, %get3A_377] {strides = array<i32>} : memref<2x8x128xi32, #tpu.memory_space<vmem>>, vector<16xi32>,
      tpu.vector_store_idx %arg12[%get3A_378], %broadcast_in_dim3A_9 {add = true} : memref<10112xf32, #tpu.memory_space<vmem>>[vector<16xi32>], vector<16xf32>,
      %get3A_379 = arith.constant 4 : i32
      %get3A_380 = arith.index_cast %rem3A_55 : i32 to index
      %get3A_381 = arith.index_cast %get3A_379 : i32 to index
      %get3A_382 = arith.constant 64 : index
      %get3A_383 = tpu.vector_load %arg10[%get3A_380, %get3A_381, %get3A_382] {strides = array<i32>} : memref<2x8x128xi32, #tpu.memory_space<vmem>>, vector<16xi32>,
      tpu.vector_store_idx %arg12[%get3A_383], %broadcast_in_dim3A_9 {add = true} : memref<10112xf32, #tpu.memory_space<vmem>>[vector<16xi32>], vector<16xf32>,
      %get3A_384 = arith.constant 4 : i32
      %get3A_385 = arith.index_cast %rem3A_55 : i32 to index
      %get3A_386 = arith.index_cast %get3A_384 : i32 to index
      %get3A_387 = arith.constant 80 : index
      %get3A_388 = tpu.vector_load %arg10[%get3A_385, %get3A_386, %get3A_387] {strides = array<i32>} : memref<2x8x128xi32, #tpu.memory_space<vmem>>, vector<16xi32>,
      tpu.vector_store_idx %arg12[%get3A_388], %broadcast_in_dim3A_9 {add = true} : memref<10112xf32, #tpu.memory_space<vmem>>[vector<16xi32>], vector<16xf32>,
      %get3A_389 = arith.constant 4 : i32
      %get3A_390 = arith.index_cast %rem3A_55 : i32 to index
      %get3A_391 = arith.index_cast %get3A_389 : i32 to index
      %get3A_392 = arith.constant 96 : index
      %get3A_393 = tpu.vector_load %arg10[%get3A_390, %get3A_391, %get3A_392] {strides = array<i32>} : memref<2x8x128xi32, #tpu.memory_space<vmem>>, vector<16xi32>,
      tpu.vector_store_idx %arg12[%get3A_393], %broadcast_in_dim3A_9 {add = true} : memref<10112xf32, #tpu.memory_space<vmem>>[vector<16xi32>], vector<16xf32>,
      %get3A_394 = arith.constant 4 : i32
      %get3A_395 = arith.index_cast %rem3A_55 : i32 to index
      %get3A_396 = arith.index_cast %get3A_394 : i32 to index
      %get3A_397 = arith.constant 112 : index
      %get3A_398 = tpu.vector_load %arg10[%get3A_395, %get3A_396, %get3A_397] {strides = array<i32>} : memref<2x8x128xi32, #tpu.memory_space<vmem>>, vector<16xi32>,
      tpu.vector_store_idx %arg12[%get3A_398], %broadcast_in_dim3A_9 {add = true} : memref<10112xf32, #tpu.memory_space<vmem>>[vector<16xi32>], vector<16xf32>,
      %add3A_399 = arith.constant 2 : i32
      %add3A_400 = arith.addi %add3A_340, %add3A_399 : i32
      %lt3A_401 = arith.constant 160 : i32
      %lt3A_402 = arith.cmpi slt, %add3A_400, %lt3A_401 : i32
      %convert_element_type3A_403 = arith.extui %lt3A_402 : i1 to i32
      %cond3A_404 = arith.constant 0 : i32
      %cond3A_405 = arith.cmpi ne, %convert_element_type3A_403, %cond3A_404 : i32
      scf.if %cond3A_405 {
        %dma_start3A_620 = arith.constant 6 : i32
        %dma_start3A_621 = arith.constant 0 : i32
        %dma_start3A_622 = arith.constant 0 : i32
        %dma_start3A_623 = arith.constant 0 : i32
        %dma_start3A_624 = tpu.memref_slice %arg11[%dma_start3A_621, %dma_start3A_622, %dma_start3A_623] : memref<2x128x128xf32, #tpu.memory_space<vmem>> -> memref<1x128x128xf32, #tpu.memory_space<vmem>>
        %dma_start3A_625 = tpu.memref_squeeze %dma_start3A_624 : memref<1x128x128xf32, #tpu.memory_space<vmem>> -> memref<128x128xf32, #tpu.memory_space<vmem>>
        %dma_start3A_626 = arith.constant 0 : i32
        %dma_start3A_627 = tpu.memref_slice %arg9[%rem3A_55, %dma_start3A_620, %dma_start3A_626] : memref<2x8x128xi32, #tpu.memory_space<vmem>> -> memref<1x1x128xi32, #tpu.memory_space<vmem>>
        %dma_start3A_628 = tpu.memref_squeeze %dma_start3A_627 : memref<1x1x128xi32, #tpu.memory_space<vmem>> -> memref<128xi32, #tpu.memory_space<vmem>>
        %dma_start3A_629 = arith.constant 0 : i32
        %dma_start3A_630 = arith.constant 0 : i32
        %dma_start3A_631 = tpu.memref_slice %arg2[%arg0, %dma_start3A_629, %dma_start3A_630] : memref<2x10000x128xf32, #tpu.memory_space<hbm>> -> memref<1x10000x128xf32, #tpu.memory_space<hbm>>
        %dma_start3A_632 = tpu.memref_squeeze %dma_start3A_631 : memref<1x10000x128xf32, #tpu.memory_space<hbm>> -> memref<10000x128xf32, #tpu.memory_space<hbm>>
        %dma_start3A_633 = arith.constant 0 : i32
        %dma_start3A_634 = arith.constant 0 : i32
        %dma_start3A_635 = tpu.memref_slice %dma_start3A_632[%dma_start3A_633, %dma_start3A_634] : memref<10000x128xf32, #tpu.memory_space<hbm>> -> memref<10000x128xf32, #tpu.memory_space<hbm>>
        tpu.enqueue_indirect_dma source(%dma_start3A_635 : memref<10000x128xf32, #tpu.memory_space<hbm>>) target(%dma_start3A_625 : memref<128x128xf32, #tpu.memory_space<vmem>>) offsets(%dma_start3A_628 : memref<128xi32, #tpu.memory_space<vmem>>) semaphore(%arg13 : memref<!tpu.dma_semaphore, #tpu.memory_space<semaphore_mem>>)
      } else {
      }
      %mul3A_406 = arith.constant 8 : i32
      %mul3A_407 = arith.muli %scan3A_54, %mul3A_406 : i32
      %add3A_408 = arith.constant 5 : i32
      %add3A_409 = arith.addi %mul3A_407, %add3A_408 : i32
      %dma_wait3A_410 = arith.constant 5 : i32
      %dma_wait3A_411 = arith.constant 1 : i32
      %dma_wait3A_412 = arith.constant 0 : i32
      %dma_wait3A_413 = arith.constant 0 : i32
      %dma_wait3A_414 = tpu.memref_slice %arg11[%dma_wait3A_411, %dma_wait3A_412, %dma_wait3A_413] : memref<2x128x128xf32, #tpu.memory_space<vmem>> -> memref<1x128x128xf32, #tpu.memory_space<vmem>>
      %dma_wait3A_415 = tpu.memref_squeeze %dma_wait3A_414 : memref<1x128x128xf32, #tpu.memory_space<vmem>> -> memref<128x128xf32, #tpu.memory_space<vmem>>
      %dma_wait3A_416 = arith.constant 0 : i32
      %dma_wait3A_417 = tpu.memref_slice %arg9[%rem3A_55, %dma_wait3A_410, %dma_wait3A_416] : memref<2x8x128xi32, #tpu.memory_space<vmem>> -> memref<1x1x128xi32, #tpu.memory_space<vmem>>
      %dma_wait3A_418 = tpu.memref_squeeze %dma_wait3A_417 : memref<1x1x128xi32, #tpu.memory_space<vmem>> -> memref<128xi32, #tpu.memory_space<vmem>>
      %dma_wait3A_419 = arith.constant 0 : i32
      %dma_wait3A_420 = arith.constant 0 : i32
      %dma_wait3A_421 = tpu.memref_slice %arg2[%arg0, %dma_wait3A_419, %dma_wait3A_420] : memref<2x10000x128xf32, #tpu.memory_space<hbm>> -> memref<1x10000x128xf32, #tpu.memory_space<hbm>>
      %dma_wait3A_422 = tpu.memref_squeeze %dma_wait3A_421 : memref<1x10000x128xf32, #tpu.memory_space<hbm>> -> memref<10000x128xf32, #tpu.memory_space<hbm>>
      %dma_wait3A_423 = arith.constant 0 : i32
      %dma_wait3A_424 = arith.constant 0 : i32
      %dma_wait3A_425 = tpu.memref_slice %dma_wait3A_422[%dma_wait3A_423, %dma_wait3A_424] : memref<10000x128xf32, #tpu.memory_space<hbm>> -> memref<10000x128xf32, #tpu.memory_space<hbm>>
      tpu.wait_indirect_dma semaphore(%arg14 : memref<!tpu.dma_semaphore, #tpu.memory_space<semaphore_mem>>) src(%dma_wait3A_425 : memref<10000x128xf32, #tpu.memory_space<hbm>>) dst(%dma_wait3A_415 : memref<128x128xf32, #tpu.memory_space<vmem>>)
      %run_scoped3A_426 = arith.constant 1 : i32
      %run_scoped3A_427 = arith.constant 5 : i32
      "tpu.region"() ({
        %run_scoped3A_620 = tpu.sem_alloc : memref<!tpu.dma_semaphore, #tpu.memory_space<semaphore_mem>>
        %dma_start3A_621 = arith.constant 0 : i32
        %dma_start3A_622 = arith.constant 0 : i32
        %dma_start3A_623 = tpu.memref_slice %arg11[%run_scoped3A_426, %dma_start3A_621, %dma_start3A_622] : memref<2x128x128xf32, #tpu.memory_space<vmem>> -> memref<1x128x128xf32, #tpu.memory_space<vmem>>
        %dma_start3A_624 = tpu.memref_squeeze %dma_start3A_623 : memref<1x128x128xf32, #tpu.memory_space<vmem>> -> memref<128x128xf32, #tpu.memory_space<vmem>>
        %dma_start3A_625 = arith.constant 0 : i32
        %dma_start3A_626 = tpu.memref_slice %arg10[%rem3A_55, %run_scoped3A_427, %dma_start3A_625] : memref<2x8x128xi32, #tpu.memory_space<vmem>> -> memref<1x1x128xi32, #tpu.memory_space<vmem>>
        %dma_start3A_627 = tpu.memref_squeeze %dma_start3A_626 : memref<1x1x128xi32, #tpu.memory_space<vmem>> -> memref<128xi32, #tpu.memory_space<vmem>>
        %dma_start3A_628 = arith.constant 0 : i32
        %dma_start3A_629 = arith.constant 0 : i32
        %dma_start3A_630 = tpu.memref_slice %arg8[%dma_start3A_628, %dma_start3A_629] : memref<10112x128xf32, #tpu.memory_space<vmem_shared>> -> memref<10112x128xf32, #tpu.memory_space<vmem_shared>>
        tpu.enqueue_indirect_dma source(%dma_start3A_624 : memref<128x128xf32, #tpu.memory_space<vmem>>) target(%dma_start3A_630 : memref<10112x128xf32, #tpu.memory_space<vmem_shared>>) offsets(%dma_start3A_627 : memref<128xi32, #tpu.memory_space<vmem>>) semaphore(%run_scoped3A_620 : memref<!tpu.dma_semaphore, #tpu.memory_space<semaphore_mem>>) {add = true}
        %dma_wait3A_631 = arith.constant 0 : i32
        %dma_wait3A_632 = arith.constant 0 : i32
        %dma_wait3A_633 = tpu.memref_slice %arg11[%run_scoped3A_426, %dma_wait3A_631, %dma_wait3A_632] : memref<2x128x128xf32, #tpu.memory_space<vmem>> -> memref<1x128x128xf32, #tpu.memory_space<vmem>>
        %dma_wait3A_634 = tpu.memref_squeeze %dma_wait3A_633 : memref<1x128x128xf32, #tpu.memory_space<vmem>> -> memref<128x128xf32, #tpu.memory_space<vmem>>
        %dma_wait3A_635 = arith.constant 0 : i32
        %dma_wait3A_636 = tpu.memref_slice %arg10[%rem3A_55, %run_scoped3A_427, %dma_wait3A_635] : memref<2x8x128xi32, #tpu.memory_space<vmem>> -> memref<1x1x128xi32, #tpu.memory_space<vmem>>
        %dma_wait3A_637 = tpu.memref_squeeze %dma_wait3A_636 : memref<1x1x128xi32, #tpu.memory_space<vmem>> -> memref<128xi32, #tpu.memory_space<vmem>>
        %dma_wait3A_638 = arith.constant 0 : i32
        %dma_wait3A_639 = arith.constant 0 : i32
        %dma_wait3A_640 = tpu.memref_slice %arg8[%dma_wait3A_638, %dma_wait3A_639] : memref<10112x128xf32, #tpu.memory_space<vmem_shared>> -> memref<10112x128xf32, #tpu.memory_space<vmem_shared>>
        tpu.wait_indirect_dma semaphore(%run_scoped3A_620 : memref<!tpu.dma_semaphore, #tpu.memory_space<semaphore_mem>>) src(%dma_wait3A_634 : memref<128x128xf32, #tpu.memory_space<vmem>>) dst(%dma_wait3A_640 : memref<10112x128xf32, #tpu.memory_space<vmem_shared>>)
        tpu.yield
      }) : () -> ()
      %get3A_428 = arith.constant 5 : i32
      %get3A_429 = arith.index_cast %rem3A_55 : i32 to index
      %get3A_430 = arith.index_cast %get3A_428 : i32 to index
      %get3A_431 = arith.constant 0 : index
      %get3A_432 = tpu.vector_load %arg10[%get3A_429, %get3A_430, %get3A_431] {strides = array<i32>} : memref<2x8x128xi32, #tpu.memory_space<vmem>>, vector<16xi32>,
      tpu.vector_store_idx %arg12[%get3A_432], %broadcast_in_dim3A_9 {add = true} : memref<10112xf32, #tpu.memory_space<vmem>>[vector<16xi32>], vector<16xf32>,
      %get3A_433 = arith.constant 5 : i32
      %get3A_434 = arith.index_cast %rem3A_55 : i32 to index
      %get3A_435 = arith.index_cast %get3A_433 : i32 to index
      %get3A_436 = arith.constant 16 : index
      %get3A_437 = tpu.vector_load %arg10[%get3A_434, %get3A_435, %get3A_436] {strides = array<i32>} : memref<2x8x128xi32, #tpu.memory_space<vmem>>, vector<16xi32>,
      tpu.vector_store_idx %arg12[%get3A_437], %broadcast_in_dim3A_9 {add = true} : memref<10112xf32, #tpu.memory_space<vmem>>[vector<16xi32>], vector<16xf32>,
      %get3A_438 = arith.constant 5 : i32
      %get3A_439 = arith.index_cast %rem3A_55 : i32 to index
      %get3A_440 = arith.index_cast %get3A_438 : i32 to index
      %get3A_441 = arith.constant 32 : index
      %get3A_442 = tpu.vector_load %arg10[%get3A_439, %get3A_440, %get3A_441] {strides = array<i32>} : memref<2x8x128xi32, #tpu.memory_space<vmem>>, vector<16xi32>,
      tpu.vector_store_idx %arg12[%get3A_442], %broadcast_in_dim3A_9 {add = true} : memref<10112xf32, #tpu.memory_space<vmem>>[vector<16xi32>], vector<16xf32>,
      %get3A_443 = arith.constant 5 : i32
      %get3A_444 = arith.index_cast %rem3A_55 : i32 to index
      %get3A_445 = arith.index_cast %get3A_443 : i32 to index
      %get3A_446 = arith.constant 48 : index
      %get3A_447 = tpu.vector_load %arg10[%get3A_444, %get3A_445, %get3A_446] {strides = array<i32>} : memref<2x8x128xi32, #tpu.memory_space<vmem>>, vector<16xi32>,
      tpu.vector_store_idx %arg12[%get3A_447], %broadcast_in_dim3A_9 {add = true} : memref<10112xf32, #tpu.memory_space<vmem>>[vector<16xi32>], vector<16xf32>,
      %get3A_448 = arith.constant 5 : i32
      %get3A_449 = arith.index_cast %rem3A_55 : i32 to index
      %get3A_450 = arith.index_cast %get3A_448 : i32 to index
      %get3A_451 = arith.constant 64 : index
      %get3A_452 = tpu.vector_load %arg10[%get3A_449, %get3A_450, %get3A_451] {strides = array<i32>} : memref<2x8x128xi32, #tpu.memory_space<vmem>>, vector<16xi32>,
      tpu.vector_store_idx %arg12[%get3A_452], %broadcast_in_dim3A_9 {add = true} : memref<10112xf32, #tpu.memory_space<vmem>>[vector<16xi32>], vector<16xf32>,
      %get3A_453 = arith.constant 5 : i32
      %get3A_454 = arith.index_cast %rem3A_55 : i32 to index
      %get3A_455 = arith.index_cast %get3A_453 : i32 to index
      %get3A_456 = arith.constant 80 : index
      %get3A_457 = tpu.vector_load %arg10[%get3A_454, %get3A_455, %get3A_456] {strides = array<i32>} : memref<2x8x128xi32, #tpu.memory_space<vmem>>, vector<16xi32>,
      tpu.vector_store_idx %arg12[%get3A_457], %broadcast_in_dim3A_9 {add = true} : memref<10112xf32, #tpu.memory_space<vmem>>[vector<16xi32>], vector<16xf32>,
      %get3A_458 = arith.constant 5 : i32
      %get3A_459 = arith.index_cast %rem3A_55 : i32 to index
      %get3A_460 = arith.index_cast %get3A_458 : i32 to index
      %get3A_461 = arith.constant 96 : index
      %get3A_462 = tpu.vector_load %arg10[%get3A_459, %get3A_460, %get3A_461] {strides = array<i32>} : memref<2x8x128xi32, #tpu.memory_space<vmem>>, vector<16xi32>,
      tpu.vector_store_idx %arg12[%get3A_462], %broadcast_in_dim3A_9 {add = true} : memref<10112xf32, #tpu.memory_space<vmem>>[vector<16xi32>], vector<16xf32>,
      %get3A_463 = arith.constant 5 : i32
      %get3A_464 = arith.index_cast %rem3A_55 : i32 to index
      %get3A_465 = arith.index_cast %get3A_463 : i32 to index
      %get3A_466 = arith.constant 112 : index
      %get3A_467 = tpu.vector_load %arg10[%get3A_464, %get3A_465, %get3A_466] {strides = array<i32>} : memref<2x8x128xi32, #tpu.memory_space<vmem>>, vector<16xi32>,
      tpu.vector_store_idx %arg12[%get3A_467], %broadcast_in_dim3A_9 {add = true} : memref<10112xf32, #tpu.memory_space<vmem>>[vector<16xi32>], vector<16xf32>,
      %add3A_468 = arith.constant 2 : i32
      %add3A_469 = arith.addi %add3A_409, %add3A_468 : i32
      %lt3A_470 = arith.constant 160 : i32
      %lt3A_471 = arith.cmpi slt, %add3A_469, %lt3A_470 : i32
      %convert_element_type3A_472 = arith.extui %lt3A_471 : i1 to i32
      %cond3A_473 = arith.constant 0 : i32
      %cond3A_474 = arith.cmpi ne, %convert_element_type3A_472, %cond3A_473 : i32
      scf.if %cond3A_474 {
        %dma_start3A_620 = arith.constant 7 : i32
        %dma_start3A_621 = arith.constant 1 : i32
        %dma_start3A_622 = arith.constant 0 : i32
        %dma_start3A_623 = arith.constant 0 : i32
        %dma_start3A_624 = tpu.memref_slice %arg11[%dma_start3A_621, %dma_start3A_622, %dma_start3A_623] : memref<2x128x128xf32, #tpu.memory_space<vmem>> -> memref<1x128x128xf32, #tpu.memory_space<vmem>>
        %dma_start3A_625 = tpu.memref_squeeze %dma_start3A_624 : memref<1x128x128xf32, #tpu.memory_space<vmem>> -> memref<128x128xf32, #tpu.memory_space<vmem>>
        %dma_start3A_626 = arith.constant 0 : i32
        %dma_start3A_627 = tpu.memref_slice %arg9[%rem3A_55, %dma_start3A_620, %dma_start3A_626] : memref<2x8x128xi32, #tpu.memory_space<vmem>> -> memref<1x1x128xi32, #tpu.memory_space<vmem>>
        %dma_start3A_628 = tpu.memref_squeeze %dma_start3A_627 : memref<1x1x128xi32, #tpu.memory_space<vmem>> -> memref<128xi32, #tpu.memory_space<vmem>>
        %dma_start3A_629 = arith.constant 0 : i32
        %dma_start3A_630 = arith.constant 0 : i32
        %dma_start3A_631 = tpu.memref_slice %arg2[%arg0, %dma_start3A_629, %dma_start3A_630] : memref<2x10000x128xf32, #tpu.memory_space<hbm>> -> memref<1x10000x128xf32, #tpu.memory_space<hbm>>
        %dma_start3A_632 = tpu.memref_squeeze %dma_start3A_631 : memref<1x10000x128xf32, #tpu.memory_space<hbm>> -> memref<10000x128xf32, #tpu.memory_space<hbm>>
        %dma_start3A_633 = arith.constant 0 : i32
        %dma_start3A_634 = arith.constant 0 : i32
        %dma_start3A_635 = tpu.memref_slice %dma_start3A_632[%dma_start3A_633, %dma_start3A_634] : memref<10000x128xf32, #tpu.memory_space<hbm>> -> memref<10000x128xf32, #tpu.memory_space<hbm>>
        tpu.enqueue_indirect_dma source(%dma_start3A_635 : memref<10000x128xf32, #tpu.memory_space<hbm>>) target(%dma_start3A_625 : memref<128x128xf32, #tpu.memory_space<vmem>>) offsets(%dma_start3A_628 : memref<128xi32, #tpu.memory_space<vmem>>) semaphore(%arg14 : memref<!tpu.dma_semaphore, #tpu.memory_space<semaphore_mem>>)
      } else {
      }
      %mul3A_475 = arith.constant 8 : i32
      %mul3A_476 = arith.muli %scan3A_54, %mul3A_475 : i32
      %add3A_477 = arith.constant 6 : i32
      %add3A_478 = arith.addi %mul3A_476, %add3A_477 : i32
      %add3A_479 = arith.constant 1 : i32
      %add3A_480 = arith.addi %scan3A_54, %add3A_479 : i32
      %lt3A_481 = arith.constant 20 : i32
      %lt3A_482 = arith.cmpi slt, %add3A_480, %lt3A_481 : i32
      %convert_element_type3A_483 = arith.extui %lt3A_482 : i1 to i32
      %cond3A_484 = arith.constant 0 : i32
      %cond3A_485 = arith.cmpi ne, %convert_element_type3A_483, %cond3A_484 : i32
      scf.if %cond3A_485 {
        %add3A_620 = arith.constant 1 : i32
        %add3A_621 = arith.addi %scan3A_54, %add3A_620 : i32
        %mul3A_622 = arith.constant 8 : i32
        %mul3A_623 = arith.muli %add3A_621, %mul3A_622 : i32
        %dma_wait3A_624 = arith.constant 0 : i32
        %dma_wait3A_625 = arith.constant 0 : i32
        %dma_wait3A_626 = tpu.memref_slice %arg9[%rem3A_58, %dma_wait3A_624, %dma_wait3A_625] : memref<2x8x128xi32, #tpu.memory_space<vmem>> -> memref<1x8x128xi32, #tpu.memory_space<vmem>>
        %dma_wait3A_627 = tpu.memref_squeeze %dma_wait3A_626 : memref<1x8x128xi32, #tpu.memory_space<vmem>> -> memref<8x128xi32, #tpu.memory_space<vmem>>
        %dma_wait3A_628 = arith.constant 0 : i32
        %dma_wait3A_629 = tpu.memref_slice %arg3[%arg0, %arg1, %mul3A_623, %dma_wait3A_628] : memref<2x16x160x128xi32, #tpu.memory_space<hbm>> -> memref<1x1x8x128xi32, #tpu.memory_space<hbm>>
        %dma_wait3A_630 = tpu.memref_squeeze %dma_wait3A_629 : memref<1x1x8x128xi32, #tpu.memory_space<hbm>> -> memref<8x128xi32, #tpu.memory_space<hbm>>
        %dma_wait3A_631 = arith.constant 0 : i32
        %dma_wait3A_632 = arith.constant 0 : i32
        %dma_wait3A_633 = tpu.memref_slice %arg9[%rem3A_58, %dma_wait3A_631, %dma_wait3A_632] : memref<2x8x128xi32, #tpu.memory_space<vmem>> -> memref<1x8x128xi32, #tpu.memory_space<vmem>>
        %dma_wait3A_634 = tpu.memref_squeeze %dma_wait3A_633 : memref<1x8x128xi32, #tpu.memory_space<vmem>> -> memref<8x128xi32, #tpu.memory_space<vmem>>
        %dma_wait3A_635 = arith.constant 0 : i32
        %dma_wait3A_636 = tpu.memref_slice %arg3[%arg0, %arg1, %mul3A_623, %dma_wait3A_635] : memref<2x16x160x128xi32, #tpu.memory_space<hbm>> -> memref<1x1x8x128xi32, #tpu.memory_space<hbm>>
        %dma_wait3A_637 = tpu.memref_squeeze %dma_wait3A_636 : memref<1x1x8x128xi32, #tpu.memory_space<hbm>> -> memref<8x128xi32, #tpu.memory_space<hbm>>
        tpu.wait_dma2 semaphore(%arg15 : memref<!tpu.dma_semaphore, #tpu.memory_space<semaphore_mem>>) src(%dma_wait3A_637 : memref<8x128xi32, #tpu.memory_space<hbm>>) dst(%dma_wait3A_634 : memref<8x128xi32, #tpu.memory_space<vmem>>)
        %add3A_638 = arith.constant 1 : i32
        %add3A_639 = arith.addi %scan3A_54, %add3A_638 : i32
        %mul3A_640 = arith.constant 8 : i32
        %mul3A_641 = arith.muli %add3A_639, %mul3A_640 : i32
        %dma_wait3A_642 = arith.constant 0 : i32
        %dma_wait3A_643 = arith.constant 0 : i32
        %dma_wait3A_644 = tpu.memref_slice %arg10[%rem3A_58, %dma_wait3A_642, %dma_wait3A_643] : memref<2x8x128xi32, #tpu.memory_space<vmem>> -> memref<1x8x128xi32, #tpu.memory_space<vmem>>
        %dma_wait3A_645 = tpu.memref_squeeze %dma_wait3A_644 : memref<1x8x128xi32, #tpu.memory_space<vmem>> -> memref<8x128xi32, #tpu.memory_space<vmem>>
        %dma_wait3A_646 = arith.constant 0 : i32
        %dma_wait3A_647 = tpu.memref_slice %arg4[%arg0, %arg1, %mul3A_641, %dma_wait3A_646] : memref<2x16x160x128xi32, #tpu.memory_space<hbm>> -> memref<1x1x8x128xi32, #tpu.memory_space<hbm>>
        %dma_wait3A_648 = tpu.memref_squeeze %dma_wait3A_647 : memref<1x1x8x128xi32, #tpu.memory_space<hbm>> -> memref<8x128xi32, #tpu.memory_space<hbm>>
        %dma_wait3A_649 = arith.constant 0 : i32
        %dma_wait3A_650 = arith.constant 0 : i32
        %dma_wait3A_651 = tpu.memref_slice %arg10[%rem3A_58, %dma_wait3A_649, %dma_wait3A_650] : memref<2x8x128xi32, #tpu.memory_space<vmem>> -> memref<1x8x128xi32, #tpu.memory_space<vmem>>
        %dma_wait3A_652 = tpu.memref_squeeze %dma_wait3A_651 : memref<1x8x128xi32, #tpu.memory_space<vmem>> -> memref<8x128xi32, #tpu.memory_space<vmem>>
        %dma_wait3A_653 = arith.constant 0 : i32
        %dma_wait3A_654 = tpu.memref_slice %arg4[%arg0, %arg1, %mul3A_641, %dma_wait3A_653] : memref<2x16x160x128xi32, #tpu.memory_space<hbm>> -> memref<1x1x8x128xi32, #tpu.memory_space<hbm>>
        %dma_wait3A_655 = tpu.memref_squeeze %dma_wait3A_654 : memref<1x1x8x128xi32, #tpu.memory_space<hbm>> -> memref<8x128xi32, #tpu.memory_space<hbm>>
        tpu.wait_dma2 semaphore(%arg15 : memref<!tpu.dma_semaphore, #tpu.memory_space<semaphore_mem>>) src(%dma_wait3A_655 : memref<8x128xi32, #tpu.memory_space<hbm>>) dst(%dma_wait3A_652 : memref<8x128xi32, #tpu.memory_space<vmem>>)
      } else {
      }
      %dma_wait3A_486 = arith.constant 6 : i32
      %dma_wait3A_487 = arith.constant 0 : i32
      %dma_wait3A_488 = arith.constant 0 : i32
      %dma_wait3A_489 = arith.constant 0 : i32
      %dma_wait3A_490 = tpu.memref_slice %arg11[%dma_wait3A_487, %dma_wait3A_488, %dma_wait3A_489] : memref<2x128x128xf32, #tpu.memory_space<vmem>> -> memref<1x128x128xf32, #tpu.memory_space<vmem>>
      %dma_wait3A_491 = tpu.memref_squeeze %dma_wait3A_490 : memref<1x128x128xf32, #tpu.memory_space<vmem>> -> memref<128x128xf32, #tpu.memory_space<vmem>>
      %dma_wait3A_492 = arith.constant 0 : i32
      %dma_wait3A_493 = tpu.memref_slice %arg9[%rem3A_55, %dma_wait3A_486, %dma_wait3A_492] : memref<2x8x128xi32, #tpu.memory_space<vmem>> -> memref<1x1x128xi32, #tpu.memory_space<vmem>>
      %dma_wait3A_494 = tpu.memref_squeeze %dma_wait3A_493 : memref<1x1x128xi32, #tpu.memory_space<vmem>> -> memref<128xi32, #tpu.memory_space<vmem>>
      %dma_wait3A_495 = arith.constant 0 : i32
      %dma_wait3A_496 = arith.constant 0 : i32
      %dma_wait3A_497 = tpu.memref_slice %arg2[%arg0, %dma_wait3A_495, %dma_wait3A_496] : memref<2x10000x128xf32, #tpu.memory_space<hbm>> -> memref<1x10000x128xf32, #tpu.memory_space<hbm>>
      %dma_wait3A_498 = tpu.memref_squeeze %dma_wait3A_497 : memref<1x10000x128xf32, #tpu.memory_space<hbm>> -> memref<10000x128xf32, #tpu.memory_space<hbm>>
      %dma_wait3A_499 = arith.constant 0 : i32
      %dma_wait3A_500 = arith.constant 0 : i32
      %dma_wait3A_501 = tpu.memref_slice %dma_wait3A_498[%dma_wait3A_499, %dma_wait3A_500] : memref<10000x128xf32, #tpu.memory_space<hbm>> -> memref<10000x128xf32, #tpu.memory_space<hbm>>
      tpu.wait_indirect_dma semaphore(%arg13 : memref<!tpu.dma_semaphore, #tpu.memory_space<semaphore_mem>>) src(%dma_wait3A_501 : memref<10000x128xf32, #tpu.memory_space<hbm>>) dst(%dma_wait3A_491 : memref<128x128xf32, #tpu.memory_space<vmem>>)
      %run_scoped3A_502 = arith.constant 0 : i32
      %run_scoped3A_503 = arith.constant 6 : i32
      "tpu.region"() ({
        %run_scoped3A_620 = tpu.sem_alloc : memref<!tpu.dma_semaphore, #tpu.memory_space<semaphore_mem>>
        %dma_start3A_621 = arith.constant 0 : i32
        %dma_start3A_622 = arith.constant 0 : i32
        %dma_start3A_623 = tpu.memref_slice %arg11[%run_scoped3A_502, %dma_start3A_621, %dma_start3A_622] : memref<2x128x128xf32, #tpu.memory_space<vmem>> -> memref<1x128x128xf32, #tpu.memory_space<vmem>>
        %dma_start3A_624 = tpu.memref_squeeze %dma_start3A_623 : memref<1x128x128xf32, #tpu.memory_space<vmem>> -> memref<128x128xf32, #tpu.memory_space<vmem>>
        %dma_start3A_625 = arith.constant 0 : i32
        %dma_start3A_626 = tpu.memref_slice %arg10[%rem3A_55, %run_scoped3A_503, %dma_start3A_625] : memref<2x8x128xi32, #tpu.memory_space<vmem>> -> memref<1x1x128xi32, #tpu.memory_space<vmem>>
        %dma_start3A_627 = tpu.memref_squeeze %dma_start3A_626 : memref<1x1x128xi32, #tpu.memory_space<vmem>> -> memref<128xi32, #tpu.memory_space<vmem>>
        %dma_start3A_628 = arith.constant 0 : i32
        %dma_start3A_629 = arith.constant 0 : i32
        %dma_start3A_630 = tpu.memref_slice %arg8[%dma_start3A_628, %dma_start3A_629] : memref<10112x128xf32, #tpu.memory_space<vmem_shared>> -> memref<10112x128xf32, #tpu.memory_space<vmem_shared>>
        tpu.enqueue_indirect_dma source(%dma_start3A_624 : memref<128x128xf32, #tpu.memory_space<vmem>>) target(%dma_start3A_630 : memref<10112x128xf32, #tpu.memory_space<vmem_shared>>) offsets(%dma_start3A_627 : memref<128xi32, #tpu.memory_space<vmem>>) semaphore(%run_scoped3A_620 : memref<!tpu.dma_semaphore, #tpu.memory_space<semaphore_mem>>) {add = true}
        %dma_wait3A_631 = arith.constant 0 : i32
        %dma_wait3A_632 = arith.constant 0 : i32
        %dma_wait3A_633 = tpu.memref_slice %arg11[%run_scoped3A_502, %dma_wait3A_631, %dma_wait3A_632] : memref<2x128x128xf32, #tpu.memory_space<vmem>> -> memref<1x128x128xf32, #tpu.memory_space<vmem>>
        %dma_wait3A_634 = tpu.memref_squeeze %dma_wait3A_633 : memref<1x128x128xf32, #tpu.memory_space<vmem>> -> memref<128x128xf32, #tpu.memory_space<vmem>>
        %dma_wait3A_635 = arith.constant 0 : i32
        %dma_wait3A_636 = tpu.memref_slice %arg10[%rem3A_55, %run_scoped3A_503, %dma_wait3A_635] : memref<2x8x128xi32, #tpu.memory_space<vmem>> -> memref<1x1x128xi32, #tpu.memory_space<vmem>>
        %dma_wait3A_637 = tpu.memref_squeeze %dma_wait3A_636 : memref<1x1x128xi32, #tpu.memory_space<vmem>> -> memref<128xi32, #tpu.memory_space<vmem>>
        %dma_wait3A_638 = arith.constant 0 : i32
        %dma_wait3A_639 = arith.constant 0 : i32
        %dma_wait3A_640 = tpu.memref_slice %arg8[%dma_wait3A_638, %dma_wait3A_639] : memref<10112x128xf32, #tpu.memory_space<vmem_shared>> -> memref<10112x128xf32, #tpu.memory_space<vmem_shared>>
        tpu.wait_indirect_dma semaphore(%run_scoped3A_620 : memref<!tpu.dma_semaphore, #tpu.memory_space<semaphore_mem>>) src(%dma_wait3A_634 : memref<128x128xf32, #tpu.memory_space<vmem>>) dst(%dma_wait3A_640 : memref<10112x128xf32, #tpu.memory_space<vmem_shared>>)
        tpu.yield
      }) : () -> ()
      %get3A_504 = arith.constant 6 : i32
      %get3A_505 = arith.index_cast %rem3A_55 : i32 to index
      %get3A_506 = arith.index_cast %get3A_504 : i32 to index
      %get3A_507 = arith.constant 0 : index
      %get3A_508 = tpu.vector_load %arg10[%get3A_505, %get3A_506, %get3A_507] {strides = array<i32>} : memref<2x8x128xi32, #tpu.memory_space<vmem>>, vector<16xi32>,
      tpu.vector_store_idx %arg12[%get3A_508], %broadcast_in_dim3A_9 {add = true} : memref<10112xf32, #tpu.memory_space<vmem>>[vector<16xi32>], vector<16xf32>,
      %get3A_509 = arith.constant 6 : i32
      %get3A_510 = arith.index_cast %rem3A_55 : i32 to index
      %get3A_511 = arith.index_cast %get3A_509 : i32 to index
      %get3A_512 = arith.constant 16 : index
      %get3A_513 = tpu.vector_load %arg10[%get3A_510, %get3A_511, %get3A_512] {strides = array<i32>} : memref<2x8x128xi32, #tpu.memory_space<vmem>>, vector<16xi32>,
      tpu.vector_store_idx %arg12[%get3A_513], %broadcast_in_dim3A_9 {add = true} : memref<10112xf32, #tpu.memory_space<vmem>>[vector<16xi32>], vector<16xf32>,
      %get3A_514 = arith.constant 6 : i32
      %get3A_515 = arith.index_cast %rem3A_55 : i32 to index
      %get3A_516 = arith.index_cast %get3A_514 : i32 to index
      %get3A_517 = arith.constant 32 : index
      %get3A_518 = tpu.vector_load %arg10[%get3A_515, %get3A_516, %get3A_517] {strides = array<i32>} : memref<2x8x128xi32, #tpu.memory_space<vmem>>, vector<16xi32>,
      tpu.vector_store_idx %arg12[%get3A_518], %broadcast_in_dim3A_9 {add = true} : memref<10112xf32, #tpu.memory_space<vmem>>[vector<16xi32>], vector<16xf32>,
      %get3A_519 = arith.constant 6 : i32
      %get3A_520 = arith.index_cast %rem3A_55 : i32 to index
      %get3A_521 = arith.index_cast %get3A_519 : i32 to index
      %get3A_522 = arith.constant 48 : index
      %get3A_523 = tpu.vector_load %arg10[%get3A_520, %get3A_521, %get3A_522] {strides = array<i32>} : memref<2x8x128xi32, #tpu.memory_space<vmem>>, vector<16xi32>,
      tpu.vector_store_idx %arg12[%get3A_523], %broadcast_in_dim3A_9 {add = true} : memref<10112xf32, #tpu.memory_space<vmem>>[vector<16xi32>], vector<16xf32>,
      %get3A_524 = arith.constant 6 : i32
      %get3A_525 = arith.index_cast %rem3A_55 : i32 to index
      %get3A_526 = arith.index_cast %get3A_524 : i32 to index
      %get3A_527 = arith.constant 64 : index
      %get3A_528 = tpu.vector_load %arg10[%get3A_525, %get3A_526, %get3A_527] {strides = array<i32>} : memref<2x8x128xi32, #tpu.memory_space<vmem>>, vector<16xi32>,
      tpu.vector_store_idx %arg12[%get3A_528], %broadcast_in_dim3A_9 {add = true} : memref<10112xf32, #tpu.memory_space<vmem>>[vector<16xi32>], vector<16xf32>,
      %get3A_529 = arith.constant 6 : i32
      %get3A_530 = arith.index_cast %rem3A_55 : i32 to index
      %get3A_531 = arith.index_cast %get3A_529 : i32 to index
      %get3A_532 = arith.constant 80 : index
      %get3A_533 = tpu.vector_load %arg10[%get3A_530, %get3A_531, %get3A_532] {strides = array<i32>} : memref<2x8x128xi32, #tpu.memory_space<vmem>>, vector<16xi32>,
      tpu.vector_store_idx %arg12[%get3A_533], %broadcast_in_dim3A_9 {add = true} : memref<10112xf32, #tpu.memory_space<vmem>>[vector<16xi32>], vector<16xf32>,
      %get3A_534 = arith.constant 6 : i32
      %get3A_535 = arith.index_cast %rem3A_55 : i32 to index
      %get3A_536 = arith.index_cast %get3A_534 : i32 to index
      %get3A_537 = arith.constant 96 : index
      %get3A_538 = tpu.vector_load %arg10[%get3A_535, %get3A_536, %get3A_537] {strides = array<i32>} : memref<2x8x128xi32, #tpu.memory_space<vmem>>, vector<16xi32>,
      tpu.vector_store_idx %arg12[%get3A_538], %broadcast_in_dim3A_9 {add = true} : memref<10112xf32, #tpu.memory_space<vmem>>[vector<16xi32>], vector<16xf32>,
      %get3A_539 = arith.constant 6 : i32
      %get3A_540 = arith.index_cast %rem3A_55 : i32 to index
      %get3A_541 = arith.index_cast %get3A_539 : i32 to index
      %get3A_542 = arith.constant 112 : index
      %get3A_543 = tpu.vector_load %arg10[%get3A_540, %get3A_541, %get3A_542] {strides = array<i32>} : memref<2x8x128xi32, #tpu.memory_space<vmem>>, vector<16xi32>,
      tpu.vector_store_idx %arg12[%get3A_543], %broadcast_in_dim3A_9 {add = true} : memref<10112xf32, #tpu.memory_space<vmem>>[vector<16xi32>], vector<16xf32>,
      %add3A_544 = arith.constant 2 : i32
      %add3A_545 = arith.addi %add3A_478, %add3A_544 : i32
      %lt3A_546 = arith.constant 160 : i32
      %lt3A_547 = arith.cmpi slt, %add3A_545, %lt3A_546 : i32
      %convert_element_type3A_548 = arith.extui %lt3A_547 : i1 to i32
      %cond3A_549 = arith.constant 0 : i32
      %cond3A_550 = arith.cmpi ne, %convert_element_type3A_548, %cond3A_549 : i32
      scf.if %cond3A_550 {
        %dma_start3A_620 = arith.constant 0 : i32
        %dma_start3A_621 = arith.constant 0 : i32
        %dma_start3A_622 = arith.constant 0 : i32
        %dma_start3A_623 = arith.constant 0 : i32
        %dma_start3A_624 = tpu.memref_slice %arg11[%dma_start3A_621, %dma_start3A_622, %dma_start3A_623] : memref<2x128x128xf32, #tpu.memory_space<vmem>> -> memref<1x128x128xf32, #tpu.memory_space<vmem>>
        %dma_start3A_625 = tpu.memref_squeeze %dma_start3A_624 : memref<1x128x128xf32, #tpu.memory_space<vmem>> -> memref<128x128xf32, #tpu.memory_space<vmem>>
        %dma_start3A_626 = arith.constant 0 : i32
        %dma_start3A_627 = tpu.memref_slice %arg9[%rem3A_58, %dma_start3A_620, %dma_start3A_626] : memref<2x8x128xi32, #tpu.memory_space<vmem>> -> memref<1x1x128xi32, #tpu.memory_space<vmem>>
        %dma_start3A_628 = tpu.memref_squeeze %dma_start3A_627 : memref<1x1x128xi32, #tpu.memory_space<vmem>> -> memref<128xi32, #tpu.memory_space<vmem>>
        %dma_start3A_629 = arith.constant 0 : i32
        %dma_start3A_630 = arith.constant 0 : i32
        %dma_start3A_631 = tpu.memref_slice %arg2[%arg0, %dma_start3A_629, %dma_start3A_630] : memref<2x10000x128xf32, #tpu.memory_space<hbm>> -> memref<1x10000x128xf32, #tpu.memory_space<hbm>>
        %dma_start3A_632 = tpu.memref_squeeze %dma_start3A_631 : memref<1x10000x128xf32, #tpu.memory_space<hbm>> -> memref<10000x128xf32, #tpu.memory_space<hbm>>
        %dma_start3A_633 = arith.constant 0 : i32
        %dma_start3A_634 = arith.constant 0 : i32
        %dma_start3A_635 = tpu.memref_slice %dma_start3A_632[%dma_start3A_633, %dma_start3A_634] : memref<10000x128xf32, #tpu.memory_space<hbm>> -> memref<10000x128xf32, #tpu.memory_space<hbm>>
        tpu.enqueue_indirect_dma source(%dma_start3A_635 : memref<10000x128xf32, #tpu.memory_space<hbm>>) target(%dma_start3A_625 : memref<128x128xf32, #tpu.memory_space<vmem>>) offsets(%dma_start3A_628 : memref<128xi32, #tpu.memory_space<vmem>>) semaphore(%arg13 : memref<!tpu.dma_semaphore, #tpu.memory_space<semaphore_mem>>)
      } else {
      }
      %mul3A_551 = arith.constant 8 : i32
      %mul3A_552 = arith.muli %scan3A_54, %mul3A_551 : i32
      %add3A_553 = arith.constant 7 : i32
      %add3A_554 = arith.addi %mul3A_552, %add3A_553 : i32
      %dma_wait3A_555 = arith.constant 7 : i32
      %dma_wait3A_556 = arith.constant 1 : i32
      %dma_wait3A_557 = arith.constant 0 : i32
      %dma_wait3A_558 = arith.constant 0 : i32
      %dma_wait3A_559 = tpu.memref_slice %arg11[%dma_wait3A_556, %dma_wait3A_557, %dma_wait3A_558] : memref<2x128x128xf32, #tpu.memory_space<vmem>> -> memref<1x128x128xf32, #tpu.memory_space<vmem>>
      %dma_wait3A_560 = tpu.memref_squeeze %dma_wait3A_559 : memref<1x128x128xf32, #tpu.memory_space<vmem>> -> memref<128x128xf32, #tpu.memory_space<vmem>>
      %dma_wait3A_561 = arith.constant 0 : i32
      %dma_wait3A_562 = tpu.memref_slice %arg9[%rem3A_55, %dma_wait3A_555, %dma_wait3A_561] : memref<2x8x128xi32, #tpu.memory_space<vmem>> -> memref<1x1x128xi32, #tpu.memory_space<vmem>>
      %dma_wait3A_563 = tpu.memref_squeeze %dma_wait3A_562 : memref<1x1x128xi32, #tpu.memory_space<vmem>> -> memref<128xi32, #tpu.memory_space<vmem>>
      %dma_wait3A_564 = arith.constant 0 : i32
      %dma_wait3A_565 = arith.constant 0 : i32
      %dma_wait3A_566 = tpu.memref_slice %arg2[%arg0, %dma_wait3A_564, %dma_wait3A_565] : memref<2x10000x128xf32, #tpu.memory_space<hbm>> -> memref<1x10000x128xf32, #tpu.memory_space<hbm>>
      %dma_wait3A_567 = tpu.memref_squeeze %dma_wait3A_566 : memref<1x10000x128xf32, #tpu.memory_space<hbm>> -> memref<10000x128xf32, #tpu.memory_space<hbm>>
      %dma_wait3A_568 = arith.constant 0 : i32
      %dma_wait3A_569 = arith.constant 0 : i32
      %dma_wait3A_570 = tpu.memref_slice %dma_wait3A_567[%dma_wait3A_568, %dma_wait3A_569] : memref<10000x128xf32, #tpu.memory_space<hbm>> -> memref<10000x128xf32, #tpu.memory_space<hbm>>
      tpu.wait_indirect_dma semaphore(%arg14 : memref<!tpu.dma_semaphore, #tpu.memory_space<semaphore_mem>>) src(%dma_wait3A_570 : memref<10000x128xf32, #tpu.memory_space<hbm>>) dst(%dma_wait3A_560 : memref<128x128xf32, #tpu.memory_space<vmem>>)
      %run_scoped3A_571 = arith.constant 1 : i32
      %run_scoped3A_572 = arith.constant 7 : i32
      "tpu.region"() ({
        %run_scoped3A_620 = tpu.sem_alloc : memref<!tpu.dma_semaphore, #tpu.memory_space<semaphore_mem>>
        %dma_start3A_621 = arith.constant 0 : i32
        %dma_start3A_622 = arith.constant 0 : i32
        %dma_start3A_623 = tpu.memref_slice %arg11[%run_scoped3A_571, %dma_start3A_621, %dma_start3A_622] : memref<2x128x128xf32, #tpu.memory_space<vmem>> -> memref<1x128x128xf32, #tpu.memory_space<vmem>>
        %dma_start3A_624 = tpu.memref_squeeze %dma_start3A_623 : memref<1x128x128xf32, #tpu.memory_space<vmem>> -> memref<128x128xf32, #tpu.memory_space<vmem>>
        %dma_start3A_625 = arith.constant 0 : i32
        %dma_start3A_626 = tpu.memref_slice %arg10[%rem3A_55, %run_scoped3A_572, %dma_start3A_625] : memref<2x8x128xi32, #tpu.memory_space<vmem>> -> memref<1x1x128xi32, #tpu.memory_space<vmem>>
        %dma_start3A_627 = tpu.memref_squeeze %dma_start3A_626 : memref<1x1x128xi32, #tpu.memory_space<vmem>> -> memref<128xi32, #tpu.memory_space<vmem>>
        %dma_start3A_628 = arith.constant 0 : i32
        %dma_start3A_629 = arith.constant 0 : i32
        %dma_start3A_630 = tpu.memref_slice %arg8[%dma_start3A_628, %dma_start3A_629] : memref<10112x128xf32, #tpu.memory_space<vmem_shared>> -> memref<10112x128xf32, #tpu.memory_space<vmem_shared>>
        tpu.enqueue_indirect_dma source(%dma_start3A_624 : memref<128x128xf32, #tpu.memory_space<vmem>>) target(%dma_start3A_630 : memref<10112x128xf32, #tpu.memory_space<vmem_shared>>) offsets(%dma_start3A_627 : memref<128xi32, #tpu.memory_space<vmem>>) semaphore(%run_scoped3A_620 : memref<!tpu.dma_semaphore, #tpu.memory_space<semaphore_mem>>) {add = true}
        %dma_wait3A_631 = arith.constant 0 : i32
        %dma_wait3A_632 = arith.constant 0 : i32
        %dma_wait3A_633 = tpu.memref_slice %arg11[%run_scoped3A_571, %dma_wait3A_631, %dma_wait3A_632] : memref<2x128x128xf32, #tpu.memory_space<vmem>> -> memref<1x128x128xf32, #tpu.memory_space<vmem>>
        %dma_wait3A_634 = tpu.memref_squeeze %dma_wait3A_633 : memref<1x128x128xf32, #tpu.memory_space<vmem>> -> memref<128x128xf32, #tpu.memory_space<vmem>>
        %dma_wait3A_635 = arith.constant 0 : i32
        %dma_wait3A_636 = tpu.memref_slice %arg10[%rem3A_55, %run_scoped3A_572, %dma_wait3A_635] : memref<2x8x128xi32, #tpu.memory_space<vmem>> -> memref<1x1x128xi32, #tpu.memory_space<vmem>>
        %dma_wait3A_637 = tpu.memref_squeeze %dma_wait3A_636 : memref<1x1x128xi32, #tpu.memory_space<vmem>> -> memref<128xi32, #tpu.memory_space<vmem>>
        %dma_wait3A_638 = arith.constant 0 : i32
        %dma_wait3A_639 = arith.constant 0 : i32
        %dma_wait3A_640 = tpu.memref_slice %arg8[%dma_wait3A_638, %dma_wait3A_639] : memref<10112x128xf32, #tpu.memory_space<vmem_shared>> -> memref<10112x128xf32, #tpu.memory_space<vmem_shared>>
        tpu.wait_indirect_dma semaphore(%run_scoped3A_620 : memref<!tpu.dma_semaphore, #tpu.memory_space<semaphore_mem>>) src(%dma_wait3A_634 : memref<128x128xf32, #tpu.memory_space<vmem>>) dst(%dma_wait3A_640 : memref<10112x128xf32, #tpu.memory_space<vmem_shared>>)
        tpu.yield
      }) : () -> ()
      %get3A_573 = arith.constant 7 : i32
      %get3A_574 = arith.index_cast %rem3A_55 : i32 to index
      %get3A_575 = arith.index_cast %get3A_573 : i32 to index
      %get3A_576 = arith.constant 0 : index
      %get3A_577 = tpu.vector_load %arg10[%get3A_574, %get3A_575, %get3A_576] {strides = array<i32>} : memref<2x8x128xi32, #tpu.memory_space<vmem>>, vector<16xi32>,
      tpu.vector_store_idx %arg12[%get3A_577], %broadcast_in_dim3A_9 {add = true} : memref<10112xf32, #tpu.memory_space<vmem>>[vector<16xi32>], vector<16xf32>,
      %get3A_578 = arith.constant 7 : i32
      %get3A_579 = arith.index_cast %rem3A_55 : i32 to index
      %get3A_580 = arith.index_cast %get3A_578 : i32 to index
      %get3A_581 = arith.constant 16 : index
      %get3A_582 = tpu.vector_load %arg10[%get3A_579, %get3A_580, %get3A_581] {strides = array<i32>} : memref<2x8x128xi32, #tpu.memory_space<vmem>>, vector<16xi32>,
      tpu.vector_store_idx %arg12[%get3A_582], %broadcast_in_dim3A_9 {add = true} : memref<10112xf32, #tpu.memory_space<vmem>>[vector<16xi32>], vector<16xf32>,
      %get3A_583 = arith.constant 7 : i32
      %get3A_584 = arith.index_cast %rem3A_55 : i32 to index
      %get3A_585 = arith.index_cast %get3A_583 : i32 to index
      %get3A_586 = arith.constant 32 : index
      %get3A_587 = tpu.vector_load %arg10[%get3A_584, %get3A_585, %get3A_586] {strides = array<i32>} : memref<2x8x128xi32, #tpu.memory_space<vmem>>, vector<16xi32>,
      tpu.vector_store_idx %arg12[%get3A_587], %broadcast_in_dim3A_9 {add = true} : memref<10112xf32, #tpu.memory_space<vmem>>[vector<16xi32>], vector<16xf32>,
      %get3A_588 = arith.constant 7 : i32
      %get3A_589 = arith.index_cast %rem3A_55 : i32 to index
      %get3A_590 = arith.index_cast %get3A_588 : i32 to index
      %get3A_591 = arith.constant 48 : index
      %get3A_592 = tpu.vector_load %arg10[%get3A_589, %get3A_590, %get3A_591] {strides = array<i32>} : memref<2x8x128xi32, #tpu.memory_space<vmem>>, vector<16xi32>,
      tpu.vector_store_idx %arg12[%get3A_592], %broadcast_in_dim3A_9 {add = true} : memref<10112xf32, #tpu.memory_space<vmem>>[vector<16xi32>], vector<16xf32>,
      %get3A_593 = arith.constant 7 : i32
      %get3A_594 = arith.index_cast %rem3A_55 : i32 to index
      %get3A_595 = arith.index_cast %get3A_593 : i32 to index
      %get3A_596 = arith.constant 64 : index
      %get3A_597 = tpu.vector_load %arg10[%get3A_594, %get3A_595, %get3A_596] {strides = array<i32>} : memref<2x8x128xi32, #tpu.memory_space<vmem>>, vector<16xi32>,
      tpu.vector_store_idx %arg12[%get3A_597], %broadcast_in_dim3A_9 {add = true} : memref<10112xf32, #tpu.memory_space<vmem>>[vector<16xi32>], vector<16xf32>,
      %get3A_598 = arith.constant 7 : i32
      %get3A_599 = arith.index_cast %rem3A_55 : i32 to index
      %get3A_600 = arith.index_cast %get3A_598 : i32 to index
      %get3A_601 = arith.constant 80 : index
      %get3A_602 = tpu.vector_load %arg10[%get3A_599, %get3A_600, %get3A_601] {strides = array<i32>} : memref<2x8x128xi32, #tpu.memory_space<vmem>>, vector<16xi32>,
      tpu.vector_store_idx %arg12[%get3A_602], %broadcast_in_dim3A_9 {add = true} : memref<10112xf32, #tpu.memory_space<vmem>>[vector<16xi32>], vector<16xf32>,
      %get3A_603 = arith.constant 7 : i32
      %get3A_604 = arith.index_cast %rem3A_55 : i32 to index
      %get3A_605 = arith.index_cast %get3A_603 : i32 to index
      %get3A_606 = arith.constant 96 : index
      %get3A_607 = tpu.vector_load %arg10[%get3A_604, %get3A_605, %get3A_606] {strides = array<i32>} : memref<2x8x128xi32, #tpu.memory_space<vmem>>, vector<16xi32>,
      tpu.vector_store_idx %arg12[%get3A_607], %broadcast_in_dim3A_9 {add = true} : memref<10112xf32, #tpu.memory_space<vmem>>[vector<16xi32>], vector<16xf32>,
      %get3A_608 = arith.constant 7 : i32
      %get3A_609 = arith.index_cast %rem3A_55 : i32 to index
      %get3A_610 = arith.index_cast %get3A_608 : i32 to index
      %get3A_611 = arith.constant 112 : index
      %get3A_612 = tpu.vector_load %arg10[%get3A_609, %get3A_610, %get3A_611] {strides = array<i32>} : memref<2x8x128xi32, #tpu.memory_space<vmem>>, vector<16xi32>,
      tpu.vector_store_idx %arg12[%get3A_612], %broadcast_in_dim3A_9 {add = true} : memref<10112xf32, #tpu.memory_space<vmem>>[vector<16xi32>], vector<16xf32>,
      %add3A_613 = arith.constant 2 : i32
      %add3A_614 = arith.addi %add3A_554, %add3A_613 : i32
      %lt3A_615 = arith.constant 160 : i32
      %lt3A_616 = arith.cmpi slt, %add3A_614, %lt3A_615 : i32
      %convert_element_type3A_617 = arith.extui %lt3A_616 : i1 to i32
      %cond3A_618 = arith.constant 0 : i32
      %cond3A_619 = arith.cmpi ne, %convert_element_type3A_617, %cond3A_618 : i32
      scf.if %cond3A_619 {
        %dma_start3A_620 = arith.constant 1 : i32
        %dma_start3A_621 = arith.constant 1 : i32
        %dma_start3A_622 = arith.constant 0 : i32
        %dma_start3A_623 = arith.constant 0 : i32
        %dma_start3A_624 = tpu.memref_slice %arg11[%dma_start3A_621, %dma_start3A_622, %dma_start3A_623] : memref<2x128x128xf32, #tpu.memory_space<vmem>> -> memref<1x128x128xf32, #tpu.memory_space<vmem>>
        %dma_start3A_625 = tpu.memref_squeeze %dma_start3A_624 : memref<1x128x128xf32, #tpu.memory_space<vmem>> -> memref<128x128xf32, #tpu.memory_space<vmem>>
        %dma_start3A_626 = arith.constant 0 : i32
        %dma_start3A_627 = tpu.memref_slice %arg9[%rem3A_58, %dma_start3A_620, %dma_start3A_626] : memref<2x8x128xi32, #tpu.memory_space<vmem>> -> memref<1x1x128xi32, #tpu.memory_space<vmem>>
        %dma_start3A_628 = tpu.memref_squeeze %dma_start3A_627 : memref<1x1x128xi32, #tpu.memory_space<vmem>> -> memref<128xi32, #tpu.memory_space<vmem>>
        %dma_start3A_629 = arith.constant 0 : i32
        %dma_start3A_630 = arith.constant 0 : i32
        %dma_start3A_631 = tpu.memref_slice %arg2[%arg0, %dma_start3A_629, %dma_start3A_630] : memref<2x10000x128xf32, #tpu.memory_space<hbm>> -> memref<1x10000x128xf32, #tpu.memory_space<hbm>>
        %dma_start3A_632 = tpu.memref_squeeze %dma_start3A_631 : memref<1x10000x128xf32, #tpu.memory_space<hbm>> -> memref<10000x128xf32, #tpu.memory_space<hbm>>
        %dma_start3A_633 = arith.constant 0 : i32
        %dma_start3A_634 = arith.constant 0 : i32
        %dma_start3A_635 = tpu.memref_slice %dma_start3A_632[%dma_start3A_633, %dma_start3A_634] : memref<10000x128xf32, #tpu.memory_space<hbm>> -> memref<10000x128xf32, #tpu.memory_space<hbm>>
        tpu.enqueue_indirect_dma source(%dma_start3A_635 : memref<10000x128xf32, #tpu.memory_space<hbm>>) target(%dma_start3A_625 : memref<128x128xf32, #tpu.memory_space<vmem>>) offsets(%dma_start3A_628 : memref<128xi32, #tpu.memory_space<vmem>>) semaphore(%arg14 : memref<!tpu.dma_semaphore, #tpu.memory_space<semaphore_mem>>)
      } else {
      }
    }
    %scan3A_48 = arith.constant 20 : i32
    %barrier3A_49 = arith.constant 0 : index
    tpu.barrier barrier_id(%barrier3A_49)
    %mul3A_50 = arith.constant 632 : i32
    %mul3A_51 = arith.muli %arg1, %mul3A_50 : i32
    %mul3A_52 = arith.constant 632 : i32
    %mul3A_53 = arith.muli %arg1, %mul3A_52 : i32
    "tpu.region"() ({
      %run_scoped3A_54 = tpu.sem_alloc : memref<!tpu.dma_semaphore, #tpu.memory_space<semaphore_mem>>
      %dma_start3A_55 = arith.constant 0 : i32
      %dma_start3A_56 = tpu.memref_slice %arg6[%arg0, %mul3A_53, %dma_start3A_55] : memref<2x10112x128xf32, #tpu.memory_space<hbm>> -> memref<1x632x128xf32, #tpu.memory_space<hbm>>
      %dma_start3A_57 = tpu.memref_squeeze %dma_start3A_56 : memref<1x632x128xf32, #tpu.memory_space<hbm>> -> memref<632x128xf32, #tpu.memory_space<hbm>>
      %dma_start3A_58 = arith.constant 0 : i32
      %dma_start3A_59 = tpu.memref_slice %arg8[%mul3A_51, %dma_start3A_58] : memref<10112x128xf32, #tpu.memory_space<vmem_shared>> -> memref<632x128xf32, #tpu.memory_space<vmem_shared>>
      tpu.enqueue_dma source(%dma_start3A_59 : memref<632x128xf32, #tpu.memory_space<vmem_shared>>) target(%dma_start3A_57 : memref<632x128xf32, #tpu.memory_space<hbm>>) target_semaphore(%run_scoped3A_54 : memref<!tpu.dma_semaphore, #tpu.memory_space<semaphore_mem>>)
      %dma_wait3A = arith.constant 0 : i32
      %dma_wait3A_60 = tpu.memref_slice %arg6[%arg0, %mul3A_53, %dma_wait3A] : memref<2x10112x128xf32, #tpu.memory_space<hbm>> -> memref<1x632x128xf32, #tpu.memory_space<hbm>>
      %dma_wait3A_61 = tpu.memref_squeeze %dma_wait3A_60 : memref<1x632x128xf32, #tpu.memory_space<hbm>> -> memref<632x128xf32, #tpu.memory_space<hbm>>
      %dma_wait3A_62 = arith.constant 0 : i32
      %dma_wait3A_63 = tpu.memref_slice %arg8[%mul3A_51, %dma_wait3A_62] : memref<10112x128xf32, #tpu.memory_space<vmem_shared>> -> memref<632x128xf32, #tpu.memory_space<vmem_shared>>
      tpu.wait_dma2 semaphore(%run_scoped3A_54 : memref<!tpu.dma_semaphore, #tpu.memory_space<semaphore_mem>>) src(%dma_wait3A_63 : memref<632x128xf32, #tpu.memory_space<vmem_shared>>) dst(%dma_wait3A_61 : memref<632x128xf32, #tpu.memory_space<hbm>>)
      tpu.yield
    }) : () -> ()
    "tpu.region"() ({
      %run_scoped3A_54 = tpu.sem_alloc : memref<!tpu.dma_semaphore, #tpu.memory_space<semaphore_mem>>
      %dma_start3A_55 = arith.constant 0 : i32
      %dma_start3A_56 = tpu.memref_slice %arg7[%arg0, %arg1, %dma_start3A_55] : memref<2x16x10112xf32, #tpu.memory_space<hbm>> -> memref<1x1x10112xf32, #tpu.memory_space<hbm>>
      %dma_start3A_57 = tpu.memref_squeeze %dma_start3A_56 : memref<1x1x10112xf32, #tpu.memory_space<hbm>> -> memref<10112xf32, #tpu.memory_space<hbm>>
      %dma_start3A_58 = arith.constant 0 : i32
      %dma_start3A_59 = tpu.memref_slice %arg7[%arg0, %arg1, %dma_start3A_58] : memref<2x16x10112xf32, #tpu.memory_space<hbm>> -> memref<1x1x10112xf32, #tpu.memory_space<hbm>>
      %dma_start3A_60 = tpu.memref_squeeze %dma_start3A_59 : memref<1x1x10112xf32, #tpu.memory_space<hbm>> -> memref<10112xf32, #tpu.memory_space<hbm>>
      tpu.enqueue_dma source(%arg12 : memref<10112xf32, #tpu.memory_space<vmem>>) target(%dma_start3A_60 : memref<10112xf32, #tpu.memory_space<hbm>>) target_semaphore(%run_scoped3A_54 : memref<!tpu.dma_semaphore, #tpu.memory_space<semaphore_mem>>)
      %dma_wait3A = arith.constant 0 : i32
      %dma_wait3A_61 = tpu.memref_slice %arg7[%arg0, %arg1, %dma_wait3A] : memref<2x16x10112xf32, #tpu.memory_space<hbm>> -> memref<1x1x10112xf32, #tpu.memory_space<hbm>>
      %dma_wait3A_62 = tpu.memref_squeeze %dma_wait3A_61 : memref<1x1x10112xf32, #tpu.memory_space<hbm>> -> memref<10112xf32, #tpu.memory_space<hbm>>
      %dma_wait3A_63 = arith.constant 0 : i32
      %dma_wait3A_64 = tpu.memref_slice %arg7[%arg0, %arg1, %dma_wait3A_63] : memref<2x16x10112xf32, #tpu.memory_space<hbm>> -> memref<1x1x10112xf32, #tpu.memory_space<hbm>>
      %dma_wait3A_65 = tpu.memref_squeeze %dma_wait3A_64 : memref<1x1x10112xf32, #tpu.memory_space<hbm>> -> memref<10112xf32, #tpu.memory_space<hbm>>
      tpu.wait_dma2 semaphore(%run_scoped3A_54 : memref<!tpu.dma_semaphore, #tpu.memory_space<semaphore_mem>>) src(%arg12 : memref<10112xf32, #tpu.memory_space<vmem>>) dst(%dma_wait3A_65 : memref<10112xf32, #tpu.memory_space<hbm>>)
      tpu.yield
    }) : () -> ()
    return
  }
}

module attributes {stable_mosaic.version = 14 : i64} {
  func.func @_finalize_body(%arg0: i32, %arg1: i32, %arg2: memref<1x512x128xf32, #tpu.memory_space<vmem>>, %arg3: memref<1x512x128xf32, #tpu.memory_space<vmem>>, %arg4: memref<1x16x512xf32, #tpu.memory_space<vmem>>, %arg5: memref<128x128xf32, #tpu.memory_space<vmem>>, %arg6: memref<1x128xf32, #tpu.memory_space<vmem>>, %arg7: memref<128x128xf32, #tpu.memory_space<vmem>>, %arg8: memref<1x512x128xf32, #tpu.memory_space<vmem>>) attributes {dimension_semantics = [#tpu.dimension_semantics<arbitrary>, #tpu.dimension_semantics<arbitrary>], iteration_bounds = array<i64: 2, 20>, scalar_prefetch = 0 : i64, scratch_operands = 0 : i64, tpu.core_type = #tpu.core_type<tc>, window_params = [{transform_indices = @transform_0, window_bounds = array<i64: 1, 512, 128>}, {transform_indices = @transform_1, window_bounds = array<i64: 1, 512, 128>}, {transform_indices = @transform_2, window_bounds = array<i64: 1, 16, 512>}, {pipeline_mode = #tpu.pipeline_mode<synchronous>, transform_indices = @transform_3, window_bounds = array<i64: 128, 128>}, {pipeline_mode = #tpu.pipeline_mode<synchronous>, transform_indices = @transform_4, window_bounds = array<i64: 1, 128>}, {pipeline_mode = #tpu.pipeline_mode<synchronous>, transform_indices = @transform_5, window_bounds = array<i64: 128, 128>}, {transform_indices = @transform_6, window_bounds = array<i64: 1, 512, 128>}]} {
    %get3A = arith.constant 0 : index
    %get3A_0 = arith.constant 0 : index
    %get3A_1 = arith.constant 0 : index
    %get3A_2 = vector.load %arg4[%get3A, %get3A_0, %get3A_1] : memref<1x16x512xf32, #tpu.memory_space<vmem>>, vector<1x16x512xf32>
    %get3A_3 = vector.shape_cast %get3A_2 : vector<1x16x512xf32> to vector<16x512xf32>
    %reduce_sum3A = arith.constant dense<0.000000e+00> : vector<512xf32>
    %reduce_sum3A_4 = vector.multi_reduction <add>, %get3A_3, %reduce_sum3A [0] : vector<16x512xf32> to vector<512xf32>
    %get3A_5 = arith.constant 0 : index
    %get3A_6 = arith.constant 0 : index
    %get3A_7 = arith.constant 0 : index
    %get3A_8 = vector.load %arg3[%get3A_5, %get3A_6, %get3A_7] : memref<1x512x128xf32, #tpu.memory_space<vmem>>, vector<1x512x128xf32>
    %get3A_9 = vector.shape_cast %get3A_8 : vector<1x512x128xf32> to vector<512x128xf32>
    %jit3A = arith.constant 1.000000e+00 : f32
    %max3A = vector.broadcast %jit3A : f32 to vector<512xf32>
    %max3A_10 = arith.maximumf %max3A, %reduce_sum3A_4 : vector<512xf32>
    %broadcast_in_dim3A = vector.shape_cast %max3A_10 : vector<512xf32> to vector<512x1xf32>
    %div3A = vector.broadcast %broadcast_in_dim3A : vector<512x1xf32> to vector<512x128xf32>
    %div3A_11 = arith.divf %get3A_9, %div3A : vector<512x128xf32>
    %get3A_12 = arith.constant 0 : index
    %get3A_13 = arith.constant 0 : index
    %get3A_14 = vector.load %arg5[%get3A_12, %get3A_13] : memref<128x128xf32, #tpu.memory_space<vmem>>, vector<128x128xf32>
    %dot_general3A = arith.constant dense<0.000000e+00> : vector<512x128xf32>
    %dot_general3A_15 = tpu.matmul %div3A_11, %get3A_14, %dot_general3A {dimension_numbers = #tpu.dot_dimension_numbers<[1], [1], [0], [0], [0, 0, 1, 0], [], []>, transpose_lhs_hint = false} : vector<512x128xf32>, vector<128x128xf32>, vector<512x128xf32> -> vector<512x128xf32>
    %get3A_16 = arith.constant 0 : index
    %get3A_17 = arith.constant 0 : index
    %get3A_18 = arith.constant 0 : index
    %get3A_19 = vector.load %arg2[%get3A_16, %get3A_17, %get3A_18] : memref<1x512x128xf32, #tpu.memory_space<vmem>>, vector<1x512x128xf32>
    %get3A_20 = vector.shape_cast %get3A_19 : vector<1x512x128xf32> to vector<512x128xf32>
    %get3A_21 = arith.constant 0 : index
    %get3A_22 = arith.constant 0 : index
    %get3A_23 = vector.load %arg7[%get3A_21, %get3A_22] : memref<128x128xf32, #tpu.memory_space<vmem>>, vector<128x128xf32>
    %dot_general3A_24 = arith.constant dense<0.000000e+00> : vector<512x128xf32>
    %dot_general3A_25 = tpu.matmul %get3A_20, %get3A_23, %dot_general3A_24 {dimension_numbers = #tpu.dot_dimension_numbers<[1], [1], [0], [0], [0, 0, 1, 0], [], []>, transpose_lhs_hint = false} : vector<512x128xf32>, vector<128x128xf32>, vector<512x128xf32> -> vector<512x128xf32>
    %add3A = arith.addf %dot_general3A_15, %dot_general3A_25 : vector<512x128xf32>
    %get3A_26 = arith.constant 0 : index
    %get3A_27 = arith.constant 0 : index
    %get3A_28 = vector.load %arg6[%get3A_26, %get3A_27] : memref<1x128xf32, #tpu.memory_space<vmem>>, vector<1x128xf32>
    %add3A_29 = vector.broadcast %get3A_28 : vector<1x128xf32> to vector<512x128xf32>
    %add3A_30 = arith.addf %add3A, %add3A_29 : vector<512x128xf32>
    %swap3A = arith.constant 0 : index
    %swap3A_31 = arith.constant 0 : index
    %swap3A_32 = arith.constant 0 : index
    %swap3A_33 = vector.load %arg8[%swap3A, %swap3A_31, %swap3A_32] : memref<1x512x128xf32, #tpu.memory_space<vmem>>, vector<1x512x128xf32>
    %swap3A_34 = vector.shape_cast %swap3A_33 : vector<1x512x128xf32> to vector<512x128xf32>
    %swap3A_35 = vector.shape_cast %add3A_30 : vector<512x128xf32> to vector<1x512x128xf32>
    tpu.vector_store %arg8[%swap3A, %swap3A_31, %swap3A_32], %swap3A_35 {strides = array<i32>} : memref<1x512x128xf32, #tpu.memory_space<vmem>>, vector<1x512x128xf32>,
    return
  }
  func.func @transform_0(%arg0: i32, %arg1: i32) -> (i32, i32, i32) {
    %c0_i32 = arith.constant 0 : i32
    %c0_i32_0 = arith.constant 0 : i32
    return %arg0, %arg1, %c0_i32 : i32, i32, i32
  }
  func.func @transform_1(%arg0: i32, %arg1: i32) -> (i32, i32, i32) {
    %c0_i32 = arith.constant 0 : i32
    %c0_i32_0 = arith.constant 0 : i32
    return %arg0, %arg1, %c0_i32 : i32, i32, i32
  }
  func.func @transform_2(%arg0: i32, %arg1: i32) -> (i32, i32, i32) {
    %c0_i32 = arith.constant 0 : i32
    %c0_i32_0 = arith.constant 0 : i32
    return %arg0, %c0_i32, %arg1 : i32, i32, i32
  }
  func.func @transform_3(%arg0: i32, %arg1: i32) -> (i32, i32) {
    %c0_i32 = arith.constant 0 : i32
    %c0_i32_0 = arith.constant 0 : i32
    %c0_i32_1 = arith.constant 0 : i32
    return %c0_i32, %c0_i32_0 : i32, i32
  }
  func.func @transform_4(%arg0: i32, %arg1: i32) -> (i32, i32) {
    %c0_i32 = arith.constant 0 : i32
    %c0_i32_0 = arith.constant 0 : i32
    %c0_i32_1 = arith.constant 0 : i32
    return %c0_i32, %c0_i32_0 : i32, i32
  }
  func.func @transform_5(%arg0: i32, %arg1: i32) -> (i32, i32) {
    %c0_i32 = arith.constant 0 : i32
    %c0_i32_0 = arith.constant 0 : i32
    %c0_i32_1 = arith.constant 0 : i32
    return %c0_i32, %c0_i32_0 : i32, i32
  }
  func.func @transform_6(%arg0: i32, %arg1: i32) -> (i32, i32, i32) {
    %c0_i32 = arith.constant 0 : i32
    %c0_i32_0 = arith.constant 0 : i32
    return %arg0, %arg1, %c0_i32 : i32, i32, i32
  }
}

</mosaic_0001>

<sc_bundles>
// kernel: kernel.4.cloned.1.call-start
scs
__scs_entry_jumppad:
0x0: {  	(pc) =	sbr.rel $0x88, $3  }
0x1: {  	(tag) =	ssettag $0x0;
	lr =	simm.s32 $0x1  }
0x2: {  	[smem:$0x3F9A] =	sst lr;
	_ =	strace $0xD0000000  }
0x3: {  	_ = 	snop  }
0x4: {  	_ = 	snop  }
0x5: {  	_ = 	snop  }
0x6: {  	_ = 	snop  }
0x7: {  	_ = 	snop  }
__scs_overlays_trampoline_lowered:
0x8: {  	[smem:$0x3FA9] =	sst s0  }
0x9: {  	[smem:$0x3FAA] =	sst s1  }
0xa: {  	[smem:$0x3FAB] =	sst s2  }
0xb: {  	[smem:$0x3FAC] =	sst s3  }
0xc: {  	[smem:$0x3FAD] =	sst s4  }
0xd: {  	[smem:$0x3FAE] =	sst s5  }
0xe: {  	[smem:$0x3FAF] =	sst s6  }
0xf: {  	[smem:$0x3FB0] =	sst s7  }
0x10: {  	[smem:$0x3FB1] =	sst s8  }
0x11: {  	[smem:$0x3FB2] =	sst s9;
	s0 =	simm.s32 @!p0 $0x0  }
0x12: {  	s1 =	sld [smem:$0x3F98];
	s0 =	simm.s32 @p0 $0x1  }
0x13: {  	[smem:$0x3FB3] =	sst s0;
	s0 =	simm.s32 @!p1 $0x0  }
0x14: {  	s2 =	sld [smem:$0x3F97];
	s0 =	simm.s32 @p1 $0x1  }
0x15: {  	[smem:$0x3FB4] =	sst s0;
	s0 =	simm.s32 @!p2 $0x0  }
0x16: {  	s3 =	sld [smem:$0x3FDB];
	s0 =	simm.s32 @p2 $0x1  }
0x17: {  	s4 =	simm.s32 $0x1BF5;
	[smem:$0x3FB6] =	sst s0  }
0x18: {  	s0 =	sld [smem:$0x3F99];
	_ =	swait.ge [sflag:s4], $0x0  }
0x19: {  	s7 =	sld [smem:$0x3F9A]  }
0x1a: {  	s8 =	sadd.s32 $0xFFFFE003, lr  }
0x1b: {  	s9 =	sadd.s32 $0xFFFFFEF7, lr;
	s5 =	simm.s32 $0xFFFFFFFF;
	p2 =	slt.u32 s8, $0xFFFFF086  }
0x1c: {  	p1 =	slt.u32 s9, $0xF7A;
	s5 =	simm.s32 @!p2 $0x0  }
0x1d: {  	s5 =	simm.s32 @p1 $0x1;
	p0 =	seq.s32 s7, s2  }
0x1e: {  	s7 =	smul.u32 @!p0 $0xF7A, s2;
	p2 =	seq.s32 @!p0 s5, $0x0  }
0x1f: {  	s9 =	smul.u32 $0xF7A, s1;
	s8 =	simm.s32 @!p0 $0x1BF5;
	p2 =	por !p2, p0  }
0x20: {  	[sflag:s8] =	ssyncset.s32 @!p0 $0xFFFFF086;
	s6 =	sadd.s32 @!p0 s3, s7;
	s7 =	simm.s32 @!p0 $0x108  }
0x21: {  	s3 =	sadd.s32 s3, s9;
	s6 =	sadd.s32 @!p0 $0x88, s6;
	s7 =	simm.s32 @p2 $0x1082  }
0x22: {  	[simem:s7], [sflag:s8] =	dma.local @!p0 [hbm:s6], $0xF7A  }
0x23: {  	s9 =	sor.u32 $0xD0000000, s2;
	s6 =	simm.s32 $0x108;
	_ =	swait.ge @!p0 [sflag:s8], $0x0  }
0x24: {  	s3 =	sadd.s32 $0x88, s3;
	s6 =	simm.s32 @!p1 $0x1082;
	[sflag:s4] =	ssyncset.s32 $0xFFFFF086  }
0x25: {  	[simem:s6], [sflag:s4] =	dma.local [hbm:s3], $0xF7A  }
0x26: {  	[smem:$0x3F9A] =	sst s1;
	(tag) =	ssettag s2;
	_ =	strace s9  }
0x27: {  	s1 =	sld [smem:$0x3FAA]  }
0x28: {  	s2 =	sld [smem:$0x3FAB]  }
0x29: {  	s4 =	sld [smem:$0x3FAD]  }
0x2a: {  	p0 =	seq.s32 s5, $0x0;
	s5 =	sld [smem:$0x3FAE]  }
0x2b: {  	s6 =	sld [smem:$0x3FAF]  }
0x2c: {  	s7 =	sld [smem:$0x3FB0]  }
0x2d: {  	s3 =	simm.s32 $0x108;
	s8 =	sld [smem:$0x3FB1]  }
0x2e: {  	s3 =	simm.s32 @!p0 $0x1082;
	s9 =	sld [smem:$0x3FB2]  }
0x2f: {  	lr =	sadd.s32 s0, s3;
	s0 =	sld [smem:$0x3FA9]  }
0x30: {  	s3 =	sld [smem:$0x3FAC]  }
0x31: {  	[smem:$0x3FB5] =	sst s10  }
0x32: {  	s10 =	sld [smem:$0x3FB3];
	_ =	sdelay $0x3  }
0x33: {  	p0 =	seq.s32 s10, $0x1;
	s10 =	sld [smem:$0x3FB5];
	_ =	sdelay $0x3  }
0x34: {  	[smem:$0x3FB5] =	sst s10  }
0x35: {  	s10 =	sld [smem:$0x3FB4];
	_ =	sdelay $0x3  }
0x36: {  	p1 =	seq.s32 s10, $0x1;
	s10 =	sld [smem:$0x3FB5];
	_ =	sdelay $0x3  }
0x37: {  	[smem:$0x3FB5] =	sst s10  }
0x38: {  	s10 =	sld [smem:$0x3FB6]  }
0x39: {  	_ = 	snop;
	(pc) =	sbr.ind lr, $3  }
0x3a: {  	_ = 	snop  }
0x3b: {  	_ = 	snop  }
0x3c: {  	p2 =	seq.s32 s10, $0x1;
	s10 =	sld [smem:$0x3FB5]  }
0x3d: {  	_ =	shalt  }
0x3e: {  	_ =	shalt  }
0x3f: {  	_ =	shalt  }
0x40: {  	_ =	shalt  }
0x41: {  	_ =	shalt  }
0x42: {  	_ =	shalt  }
0x43: {  	_ =	shalt  }
0x44: {  	_ =	shalt  }
0x45: {  	_ =	shalt  }
0x46: {  	_ =	shalt  }
0x47: {  	_ =	shalt  }
0x48: {  	_ =	shalt  }
0x49: {  	_ =	shalt  }
0x4a: {  	_ =	shalt  }
0x4b: {  	_ =	shalt  }
0x4c: {  	_ =	shalt  }
0x4d: {  	_ =	shalt  }
0x4e: {  	_ =	shalt  }
0x4f: {  	_ =	shalt  }
0x50: {  	_ =	shalt  }
0x51: {  	_ =	shalt  }
0x52: {  	_ =	shalt  }
0x53: {  	_ =	shalt  }
0x54: {  	_ =	shalt  }
0x55: {  	_ =	shalt  }
0x56: {  	_ =	shalt  }
0x57: {  	_ =	shalt  }
0x58: {  	_ =	shalt  }
0x59: {  	_ =	shalt  }
0x5a: {  	_ =	shalt  }
0x5b: {  	_ =	shalt  }
0x5c: {  	_ =	shalt  }
0x5d: {  	_ =	shalt  }
0x5e: {  	_ =	shalt  }
0x5f: {  	_ =	shalt  }
0x60: {  	_ =	shalt  }
0x61: {  	_ =	shalt  }
0x62: {  	_ =	shalt  }
0x63: {  	_ =	shalt  }
0x64: {  	_ =	shalt  }
0x65: {  	_ =	shalt  }
0x66: {  	_ =	shalt  }
0x67: {  	_ =	shalt  }
0x68: {  	_ =	shalt  }
0x69: {  	_ =	shalt  }
0x6a: {  	_ =	shalt  }
0x6b: {  	_ =	shalt  }
0x6c: {  	_ =	shalt  }
0x6d: {  	_ =	shalt  }
0x6e: {  	_ =	shalt  }
0x6f: {  	_ =	shalt  }
0x70: {  	_ =	shalt  }
0x71: {  	_ =	shalt  }
0x72: {  	_ =	shalt  }
0x73: {  	_ =	shalt  }
0x74: {  	_ =	shalt  }
0x75: {  	_ =	shalt  }
0x76: {  	_ =	shalt  }
0x77: {  	_ =	shalt  }
0x78: {  	_ =	shalt  }
0x79: {  	_ =	shalt  }
0x7a: {  	_ =	shalt  }
0x7b: {  	_ =	shalt  }
0x7c: {  	_ =	shalt  }
0x7d: {  	_ =	shalt  }
0x7e: {  	_ =	shalt  }
0x7f: {  	_ =	shalt  }
0x80: {  	_ =	shalt  }
0x81: {  	_ =	shalt  }
0x82: {  	_ =	shalt  }
0x83: {  	_ =	shalt  }
0x84: {  	_ =	shalt  }
0x85: {  	_ =	shalt  }
0x86: {  	_ =	shalt  }
0x87: {  	_ =	shalt  }
.Lfunc_end0:
.L_simem_size_0:
called_computation_lowered:
.L_overlay_start_0:
0x88: {  	s2 =	sld [smem:$0x3FD9]  }
0x89: {  	s3 =	sld [smem:$0x3FFE];
	_ =	sdelay $0x1  }
0x8a: {  	s1 =	srdreg.scid  }
0x8b: {  	s0 =	sand.u32 $0x1, s1  }
0x8c: {  	s14 =	sshll.u32 s0, $0xA;
	s2 =	sadd.s32 s3, s2  }
0x8d: {  	s2 =	sadd.s32 s2, s14  }
0x8e: {  	[smem:$0x3FC1] =	sst s2  }
0x8f: {  	_ = 	snop  }
0x90: {  	s2 =	sld [smem:$0x3FD0];
	_ =	sdelay $0x2  }
0x91: {  	s15 =	simm.s32 $0xA;
	s4 =	simm.s32 $0x10  }
0x92: {  	[smem:s4], [sflag:s15] =	dma.local [hbm:s2], $0x1  }
0x93: {  	_ =	swait.eq [sflag:s15], $0x1  }
0x94: {  	[sflag:s15] =	ssyncset.done $0x0  }
0x95: {  	s16 =	sld [smem:$0x10];
	[sflag:s15] =	ssyncadd.s32 $0xFFFFFFFF  }
0x96: {  	s17 =	sld [smem:$0x11];
	(tm) =	ssettm $0x1  }
0x97: {  	s18 =	sld [smem:$0x3FFB];
	_ =	sdelay $0x3  }
0x98: {  	_ =	strace s18  }
0x99: {  	s4 =	sld [smem:$0x3FFC];
	_ =	sdelay $0x3  }
0x9a: {  	_ =	strace s4  }
0x9b: {  	s4 =	sld [smem:$0x3FFD];
	_ =	sdelay $0x3  }
0x9c: {  	_ =	strace s4  }
0x9d: {  	_ =	strace $0x8FFFFFFF  }
0x9e: {  	s19 =	sld [smem:$0x3FDB];
	_ =	sdelay $0x1  }
0x9f: {  	s5 =	simm.s32 $_scs_section_size  }
0xa0: {  	s6 =	simm.s32 $_size__tile_overlayer_lowered;
	s7 =	simm.s32 $_tile_overlayer_lowered  }
0xa1: {  	s22 =	simm.s32 $0x1BFF;
	s21 =	sshll.u32 s7, $0x1;
	s4 =	sadd.s32 s5, s19  }
0xa2: {  	s8 =	simm.s32 $0x0;
	s20 =	sshll.u32 s6, $0x1;
	s6 =	sadd.s32 s21, s4  }
0xa3: {  	[timem:s8], [sflag:s22] =	dma.local [hbm:s6], s20  }
0xa4: {  	_ =	swait.ge [sflag:s22], s20  }
0xa5: {  	s5 =	ssub.s32 $0x0, s20;
	[sflag:s22] =	ssyncset.done $0x0  }
0xa6: {  	[sflag:s22] =	ssyncadd.s32 s5;
	_ =	sdelay $0x1  }
0xa7: {  	s23 =	simm.s32 $0x1B8B  }
0xa8: {  	_ =	swait.ge [sflag:s23], $0x1  }
0xa9: {  	[sflag:s23] =	ssyncset.done $0x0  }
0xaa: {  	s25 =	simm.s32 $0x1B8E;
	s24 =	sld [smem:$0x3FFE];
	[sflag:s23] =	ssyncadd.s32 $0xFFFFFFFF  }
0xab: {  	s26 =	simm.s32 $execute0_lowered;
	[smem:$0x3FD2] =	sst s25  }
0xac: {  	s6 =	sshll.u32 s26, $0x1;
	_ =	strace $0x80000046;
	[dreg:$0x1] =	wrdreg $0xFFFFFFFF  }
0xad: {  	s28 =	simm.s32 $_size_execute0_lowered;
	s4 =	sadd.s32 s4, s6;
	[dreg:$0x0] =	wrdreg $0x0  }
0xae: {  	s6 =	sshll.u32 s28, $0x1;
	[dreg:$0x2] =	wrdreg s4  }
0xaf: {  	[dreg:$0x3] =	wrdreg s6  }
0xb0: {  	[dreg:$0x4] =	wrdreg $0xC0  }
0xb1: {  	_ =	task [dreg:s8], $0x5FFFF  }
0xb2: {  	[dreg:$0x1] =	wrdreg $0xFFFFFFFF  }
0xb3: {  	[dreg:$0x0] =	wrdreg $0x60  }
0xb4: {  	[dreg:$0x2] =	wrdreg s24  }
0xb5: {  	[dreg:$0x3] =	wrdreg s16  }
0xb6: {  	[dreg:$0x4] =	wrdreg s17  }
0xb7: {  	[dreg:$0x5] =	wrdreg $0x0  }
0xb8: {  	[dreg:$0x6] =	wrdreg $0x9  }
0xb9: {  	_ =	task.clear_ibuf [dreg:s8], $0x7FFFF;
	_ =	strace $0x90000046  }
0xba: {  	s29 =	simm.s32 $0x9;
	_ =	strace $0x80000048  }
0xbb: {  	_ =	swait.ge [sflag:s29], $0x1  }
0xbc: {  	[sflag:s29] =	ssyncadd.s32 $0xFFFFFFFF  }
0xbd: {  	_ =	strace $0x90000048  }
0xbe: {  	_ =	sfence  }
0xbf: {  	s30 =	sld [smem:$0x0];
	_ =	sdelay $0x2  }
0xc0: {  	s31 =	sshll.u32 s1, $0xD;
	s1 =	sshrl.u32 s1, $0x2  }
0xc1: {  	s3 =	sand.u32 $0x4000, s31;
	s1 =	sadd.s32 s1, s30  }
0xc2: {  	s0 =	sor.u32 s3, s0;
	s1 =	sshll.u32 s1, $0x11  }
0xc3: {  	s0 =	sor.u32 s1, s0  }
0xc4: {  	s0 =	sadd.s32 $0x8F2B, s0  }
0xc5: {  	[sflag:s0] =	ssyncadd.remote.s32 $0x1  }
0xc6: {  	_ =	sfence.sel $0xFFFF  }
0xc7: {  	[dreg:$0x0] =	wrdreg $0xFFFFFFFF;
	(pc) =	sbr.abs _section_cstart, $3  }
0xc8: {  	[dreg:$0x1] =	wrdreg $0xFFFFFFFF  }
0xc9: {  	_ =	task.clear_ibuf [dreg:s8], $0x2FFFF;
	_ =	strace $0x9FFFFFFF  }
0xca: {  	(tm) =	ssettm $0x7FFFFFFF  }
0xcb: {  	_ =	shalt  }
tec
execute0_lowered:
.L_overlay_start_1:
0x0: {  	(tag) =	ssettag $0x1  }
0x1: {  	s0 =	rddreg [dreg:$0x0]  }
0x2: {  	s13 =	rddreg [dreg:$0x1]  }
0x3: {  	s12 =	rddreg [dreg:$0x2];
	s22 =	stileid.u32  }
0x4: {  	s1 =	rddreg [dreg:$0x3];
	s6 =	smul.u32 $0x13C00, s22  }
0x5: {  	s2 =	srdreg.scid;
	s28 =	smul.u32 $0x5000, s22  }
0x6: {  	s3 =	simm.s32 $0x0;
	s5 =	sand.u32 $0x1, s2;
	s14 =	smul.u32 $0x4F000, s22  }
0x7: {  	s16 =	simm.s32 $0x13C00;
	s18 =	simm.s32 $0x80;
	s4 =	smul.u32 $0x13C000, s5  }
0x8: {  	s19 =	simm.s32 $0x14C00;
	s21 =	simm.s32 $0x18C00;
	s7 =	smul.u32 $0x27100, s5  }
0x9: {  	[smem:$0x7FF] =	sst s3;
	s8 =	sshrl.u32 s22, $0x3;
	s23 =	smul.u32 $0x27800, s5  }
0xa: {  	s25 =	sshll.u32 s22, $0x7;
	s30 =	sshll.u32 s22, $0x6;
	s8 =	smul.u32 $0x13C00, s8  }
0xb: {  	s22 =	simm.s32 $0x1;
	s26 =	smul.u32 $0x50000, s5;
	s5 =	ssub.s32 $0x2, s5  }
0xc: {  	_ =	strace $0x80000047;
	s11 =	sshrl.u32 s5, $0x1;
	s29 =	sshrl.u32 s14, $0x2  }
0xd: {  	s4 =	sadd.s32 s6, s4;
	s9 =	sadd.s32 s7, s0;
	s6 =	sadd.s32 s23, s8  }
0xe: {  	s7 =	sand.u32 $0x380, s25;
	s11 =	ssub.s32 s5, s11;
	s15 =	sadd.s32 s28, s26  }
0xf: {  	s14 =	sadd.s32 s29, s1;
	s5 =	sor.u32 $0x1C04, s30;
	s23 =	simm.s32 $0x1CC00  }
0x10: {  	s25 =	simm.s32 $0x400;
	s24 =	sshrl.u32 s4, $0x3;
	s4 =	sadd.s32 $0x4F400, s0  }
0x11: {  	s6 =	sor.u32 s7, s6;
	s7 =	sshrl.u32 s15, $0x3;
	s8 =	sadd.s32 $0x1200, s9  }
0x12: {  	s15 =	sor.u32 $0x400, s15;
	s11 =	smax.u32 s11, $0x1;
	s14 =	sshrl.u32 s14, $0x3  }
0x13: {  	s10 =	sadd.s32 s24, s0;
	s6 =	sshrl.u32 s6, $0x3;
	s31 =	sshrl.u32 s15, $0x3  }
0x14: {  	s15 =	simm.s32 $0x4;
	s24 =	simm.s32 $0x2;
	s0 =	sadd.s32 s6, s0  }
0x15: {  	s6 =	sadd.s32 s13, s7;
	s7 =	sadd.s32 s12, s7;
	s9 =	sadd.s32 $0x5BA00, s10  }
0x16: {  	v0 =	vimm.f32 $0.0e+00;
	v1 =	vimm.f32 $1.000000000e+00;
	s12 =	sadd.s32 s31, s12;
	s13 =	sadd.s32 s31, s13;
	s10 =	sadd.s32 $0x51C00, s0  }
.LBB2_1:
0x17: {  	[spmem:s14], [sflag:s5] =	dma.local [hbm:s4], $0x2780  }
0x18: {  	_ =	swait.ge [sflag:s15], $0x2780  }
0x19: {  	[sflag:s15] =	ssyncset.done $0x0  }
0x1a: {  	s0 =	simm.s32 $0x40;
	s26 =	simm.s32 $0x0;
	[sflag:s15] =	ssyncadd.s32 $0xFFFFD880  }
.LBB2_2:
0x1b: {  	p0 =	sne.s32 s0, $0x9DC0;
	[tilespmem:s26+$0x1CC00] =	vst v0;
	s26 =	smov.u32 s0;
	s0 =	sadd.s32 $0x40, s0  }
.Ltmp0:
0x1c: {  	(pc) =	sbr.rel @p0 .LBB2_2-.Ltmp0, $2  }
0x1d: {  	_ =	sdelay $0x2  }
0x1e: {  	s26 =	sshra.s32 s26, $0x2  }
0x1f: {  	[tilespmem:s26+$0x1CC00] =	vst v0;
	s26 =	simm.s32 $0x0  }
0x20: {  	[tilespmem:s16], [sflag:$0x4] =	stream.linear.gather [hbm4b:s6+s26], $0x400, $0x38;
	[tilespmem:$0x1F380] =	vst v63  }
0x21: {  	_ =	swait.ge [sflag:s15], $0x400  }
0x22: {  	[sflag:s15] =	ssyncset.done $0x0  }
0x23: {  	s0 =	simm.s32 $0x14400;
	[sflag:s15] =	ssyncadd.s32 $0xFFFFFC00  }
0x24: {  	[tilespmem:s0], [sflag:$0x4] =	stream.linear.gather [hbm4b:s7+s26], $0x400, $0x38;
	[tilespmem:$0x1F380] =	vst v63  }
0x25: {  	_ =	swait.ge [sflag:s15], $0x400  }
0x26: {  	[sflag:s15] =	ssyncset.done $0x0  }
0x27: {  	[sflag:s15] =	ssyncadd.s32 $0xFFFFFC00  }
0x28: {  	[bflag:$0x0] =	sbarrier.arrive $0xFFFF  }
0x29: {  	[tilespmem:s19], [sflag:$0x1] =	stream.indirect.gather [hbm4b:s8+s18], $0x80, s16, s18, $0xb8;
	[tilespmem:$0x1F380] =	vst v63  }
0x2a: {  	s31 =	simm.s32 $0x13C80;
	s28 =	simm.s32 $0x1;
	s29 =	simm.s32 $0x0  }
0x2b: {  	[tilespmem:s21], [sflag:$0x2] =	stream.indirect.gather [hbm4b:s8+s18], $0x80, s31, s18, $0xb8;
	[tilespmem:$0x1F380] =	vst v63  }
.LBB2_4:
0x2c: {  	_ =	swait.ge [sflag:s22], $0x4000  }
0x2d: {  	s30 =	sand.u32 $0x400, s26;
	[sflag:s22] =	ssyncset.done $0x0  }
0x2e: {  	s0 =	sadd.s32 $0x14400, s30;
	[sflag:s22] =	ssyncadd.s32 $0xFFFFC000  }
0x2f: {  	[spmem:s1] =	stream.indirect.scatter.add.f32 [tilespmem:s19], [sflag:$0x4], $0x80, s0, s18, $0xb8;
	[tilespmem:$0x1F380] =	vst v63  }
0x30: {  	_ =	swait.ge [sflag:s15], $0x4000  }
0x31: {  	[sflag:s15] =	ssyncset.done $0x0  }
0x32: {  	[sflag:s15] =	ssyncadd.s32 $0xFFFFC000  }
0x33: {  	v2 =	vld [tilespmem:s30+$0x14400];
	_ =	sdelay $0x7  }
0x34: {  	[tilespmem:v2+s23+$0x0] =	vst.idx.add.f32.msk $0xffff, v1  }
0x35: {  	v2 =	vld [tilespmem:s30+$0x14410];
	_ =	sdelay $0x7  }
0x36: {  	[tilespmem:v2+s23+$0x0] =	vst.idx.add.f32.msk $0xffff, v1  }
0x37: {  	v2 =	vld [tilespmem:s30+$0x14420];
	_ =	sdelay $0x7  }
0x38: {  	[tilespmem:v2+s23+$0x0] =	vst.idx.add.f32.msk $0xffff, v1  }
0x39: {  	v2 =	vld [tilespmem:s30+$0x14430];
	_ =	sdelay $0x7  }
0x3a: {  	[tilespmem:v2+s23+$0x0] =	vst.idx.add.f32.msk $0xffff, v1  }
0x3b: {  	v2 =	vld [tilespmem:s30+$0x14440];
	_ =	sdelay $0x7  }
0x3c: {  	[tilespmem:v2+s23+$0x0] =	vst.idx.add.f32.msk $0xffff, v1  }
0x3d: {  	v2 =	vld [tilespmem:s30+$0x14450];
	_ =	sdelay $0x7  }
0x3e: {  	[tilespmem:v2+s23+$0x0] =	vst.idx.add.f32.msk $0xffff, v1  }
0x3f: {  	v2 =	vld [tilespmem:s30+$0x14460];
	_ =	sdelay $0x7  }
0x40: {  	[tilespmem:v2+s23+$0x0] =	vst.idx.add.f32.msk $0xffff, v1  }
0x41: {  	v2 =	vld [tilespmem:s30+$0x14470];
	_ =	sdelay $0x7  }
0x42: {  	s20 =	sadd.s32 $0x13D00, s30;
	[tilespmem:v2+s23+$0x0] =	vst.idx.add.f32.msk $0xffff, v1  }
0x43: {  	[tilespmem:s19], [sflag:$0x1] =	stream.indirect.gather [hbm4b:s8+s18], $0x80, s20, s18, $0xb8;
	[tilespmem:$0x1F380] =	vst v63  }
0x44: {  	_ =	swait.ge [sflag:s24], $0x4000  }
0x45: {  	[sflag:s24] =	ssyncset.done $0x0  }
0x46: {  	s31 =	sadd.s32 $0x14480, s30;
	[sflag:s24] =	ssyncadd.s32 $0xFFFFC000  }
0x47: {  	[spmem:s1] =	stream.indirect.scatter.add.f32 [tilespmem:s21], [sflag:$0x4], $0x80, s31, s18, $0xb8;
	[tilespmem:$0x1F380] =	vst v63  }
0x48: {  	_ =	swait.ge [sflag:s15], $0x4000  }
0x49: {  	[sflag:s15] =	ssyncset.done $0x0  }
0x4a: {  	[sflag:s15] =	ssyncadd.s32 $0xFFFFC000  }
0x4b: {  	v2 =	vld [tilespmem:s30+$0x14480];
	_ =	sdelay $0x7  }
0x4c: {  	[tilespmem:v2+s23+$0x0] =	vst.idx.add.f32.msk $0xffff, v1  }
0x4d: {  	v2 =	vld [tilespmem:s30+$0x14490];
	_ =	sdelay $0x7  }
0x4e: {  	[tilespmem:v2+s23+$0x0] =	vst.idx.add.f32.msk $0xffff, v1  }
0x4f: {  	v2 =	vld [tilespmem:s30+$0x144A0];
	_ =	sdelay $0x7  }
0x50: {  	[tilespmem:v2+s23+$0x0] =	vst.idx.add.f32.msk $0xffff, v1  }
0x51: {  	v2 =	vld [tilespmem:s30+$0x144B0];
	_ =	sdelay $0x7  }
0x52: {  	[tilespmem:v2+s23+$0x0] =	vst.idx.add.f32.msk $0xffff, v1  }
0x53: {  	v2 =	vld [tilespmem:s30+$0x144C0];
	_ =	sdelay $0x7  }
0x54: {  	[tilespmem:v2+s23+$0x0] =	vst.idx.add.f32.msk $0xffff, v1  }
0x55: {  	v2 =	vld [tilespmem:s30+$0x144D0];
	_ =	sdelay $0x7  }
0x56: {  	[tilespmem:v2+s23+$0x0] =	vst.idx.add.f32.msk $0xffff, v1  }
0x57: {  	v2 =	vld [tilespmem:s30+$0x144E0];
	_ =	sdelay $0x7  }
0x58: {  	[tilespmem:v2+s23+$0x0] =	vst.idx.add.f32.msk $0xffff, v1  }
0x59: {  	v2 =	vld [tilespmem:s30+$0x144F0];
	_ =	sdelay $0x6  }
0x5a: {  	p0 =	seq.s32 s29, $0x980;
	s0 =	sand.u32 $0x1, s28  }
0x5b: {  	s2 =	sadd.s32 $0x13D80, s30;
	s31 =	sshll.u32 @!p0 s0, $0xA;
	[tilespmem:v2+s23+$0x0] =	vst.idx.add.f32.msk $0xffff, v1  }
0x5c: {  	[tilespmem:s21], [sflag:$0x2] =	stream.indirect.gather [hbm4b:s8+s18], $0x80, s2, s18, $0xb8;
	[tilespmem:$0x1F380] =	vst v63  }
0x5d: {  	s17 =	simm.s32 @!p0 $0x0;
	s0 =	sadd.s32 @!p0 $0x13C00, s31;
	s2 =	sadd.s32 @!p0 s29, s13  }
0x5e: {  	[tilespmem:s0], [sflag:$0x3] =	stream.linear.gather @!p0 [hbm4b:s2+s17], $0x400, $0x38;
	[tilespmem:$0x1F380] =	vst v63  }
0x5f: {  	s20 =	sadd.s32 @!p0 s29, s12;
	s2 =	sadd.s32 @!p0 $0x14400, s31  }
0x60: {  	[tilespmem:s2], [sflag:$0x3] =	stream.linear.gather @!p0 [hbm4b:s20+s17], $0x400, $0x38;
	[tilespmem:$0x1F380] =	vst v63  }
0x61: {  	_ =	swait.ge [sflag:s22], $0x4000  }
0x62: {  	[sflag:s22] =	ssyncset.done $0x0  }
0x63: {  	s17 =	sadd.s32 $0x14500, s30;
	[sflag:s22] =	ssyncadd.s32 $0xFFFFC000  }
0x64: {  	[spmem:s1] =	stream.indirect.scatter.add.f32 [tilespmem:s19], [sflag:$0x4], $0x80, s17, s18, $0xb8;
	[tilespmem:$0x1F380] =	vst v63  }
0x65: {  	_ =	swait.ge [sflag:s15], $0x4000  }
0x66: {  	[sflag:s15] =	ssyncset.done $0x0  }
0x67: {  	[sflag:s15] =	ssyncadd.s32 $0xFFFFC000  }
0x68: {  	v2 =	vld [tilespmem:s30+$0x14500];
	_ =	sdelay $0x7  }
0x69: {  	[tilespmem:v2+s23+$0x0] =	vst.idx.add.f32.msk $0xffff, v1  }
0x6a: {  	v2 =	vld [tilespmem:s30+$0x14510];
	_ =	sdelay $0x7  }
0x6b: {  	[tilespmem:v2+s23+$0x0] =	vst.idx.add.f32.msk $0xffff, v1  }
0x6c: {  	v2 =	vld [tilespmem:s30+$0x14520];
	_ =	sdelay $0x7  }
0x6d: {  	[tilespmem:v2+s23+$0x0] =	vst.idx.add.f32.msk $0xffff, v1  }
0x6e: {  	v2 =	vld [tilespmem:s30+$0x14530];
	_ =	sdelay $0x7  }
0x6f: {  	[tilespmem:v2+s23+$0x0] =	vst.idx.add.f32.msk $0xffff, v1  }
0x70: {  	v2 =	vld [tilespmem:s30+$0x14540];
	_ =	sdelay $0x7  }
0x71: {  	[tilespmem:v2+s23+$0x0] =	vst.idx.add.f32.msk $0xffff, v1  }
0x72: {  	v2 =	vld [tilespmem:s30+$0x14550];
	_ =	sdelay $0x7  }
0x73: {  	[tilespmem:v2+s23+$0x0] =	vst.idx.add.f32.msk $0xffff, v1  }
0x74: {  	v2 =	vld [tilespmem:s30+$0x14560];
	_ =	sdelay $0x7  }
0x75: {  	[tilespmem:v2+s23+$0x0] =	vst.idx.add.f32.msk $0xffff, v1  }
0x76: {  	v2 =	vld [tilespmem:s30+$0x14570];
	_ =	sdelay $0x7  }
0x77: {  	s20 =	sadd.s32 $0x13E00, s30;
	[tilespmem:v2+s23+$0x0] =	vst.idx.add.f32.msk $0xffff, v1  }
0x78: {  	[tilespmem:s19], [sflag:$0x1] =	stream.indirect.gather [hbm4b:s8+s18], $0x80, s20, s18, $0xb8;
	[tilespmem:$0x1F380] =	vst v63  }
0x79: {  	_ =	swait.ge [sflag:s24], $0x4000  }
0x7a: {  	[sflag:s24] =	ssyncset.done $0x0  }
0x7b: {  	s17 =	sadd.s32 $0x14580, s30;
	[sflag:s24] =	ssyncadd.s32 $0xFFFFC000  }
0x7c: {  	[spmem:s1] =	stream.indirect.scatter.add.f32 [tilespmem:s21], [sflag:$0x4], $0x80, s17, s18, $0xb8;
	[tilespmem:$0x1F380] =	vst v63  }
0x7d: {  	_ =	swait.ge [sflag:s15], $0x4000  }
0x7e: {  	[sflag:s15] =	ssyncset.done $0x0  }
0x7f: {  	[sflag:s15] =	ssyncadd.s32 $0xFFFFC000  }
0x80: {  	v2 =	vld [tilespmem:s30+$0x14580];
	_ =	sdelay $0x7  }
0x81: {  	[tilespmem:v2+s23+$0x0] =	vst.idx.add.f32.msk $0xffff, v1  }
0x82: {  	v2 =	vld [tilespmem:s30+$0x14590];
	_ =	sdelay $0x7  }
0x83: {  	[tilespmem:v2+s23+$0x0] =	vst.idx.add.f32.msk $0xffff, v1  }
0x84: {  	v2 =	vld [tilespmem:s30+$0x145A0];
	_ =	sdelay $0x7  }
0x85: {  	[tilespmem:v2+s23+$0x0] =	vst.idx.add.f32.msk $0xffff, v1  }
0x86: {  	v2 =	vld [tilespmem:s30+$0x145B0];
	_ =	sdelay $0x7  }
0x87: {  	[tilespmem:v2+s23+$0x0] =	vst.idx.add.f32.msk $0xffff, v1  }
0x88: {  	v2 =	vld [tilespmem:s30+$0x145C0];
	_ =	sdelay $0x7  }
0x89: {  	[tilespmem:v2+s23+$0x0] =	vst.idx.add.f32.msk $0xffff, v1  }
0x8a: {  	v2 =	vld [tilespmem:s30+$0x145D0];
	_ =	sdelay $0x7  }
0x8b: {  	[tilespmem:v2+s23+$0x0] =	vst.idx.add.f32.msk $0xffff, v1  }
0x8c: {  	v2 =	vld [tilespmem:s30+$0x145E0];
	_ =	sdelay $0x7  }
0x8d: {  	[tilespmem:v2+s23+$0x0] =	vst.idx.add.f32.msk $0xffff, v1  }
0x8e: {  	v2 =	vld [tilespmem:s30+$0x145F0];
	_ =	sdelay $0x7  }
0x8f: {  	s20 =	sadd.s32 $0x13E80, s30;
	[tilespmem:v2+s23+$0x0] =	vst.idx.add.f32.msk $0xffff, v1  }
0x90: {  	[tilespmem:s21], [sflag:$0x2] =	stream.indirect.gather [hbm4b:s8+s18], $0x80, s20, s18, $0xb8;
	[tilespmem:$0x1F380] =	vst v63  }
0x91: {  	_ =	swait.ge [sflag:s22], $0x4000  }
0x92: {  	[sflag:s22] =	ssyncset.done $0x0  }
0x93: {  	s17 =	sadd.s32 $0x14600, s30;
	[sflag:s22] =	ssyncadd.s32 $0xFFFFC000  }
0x94: {  	[spmem:s1] =	stream.indirect.scatter.add.f32 [tilespmem:s19], [sflag:$0x4], $0x80, s17, s18, $0xb8;
	[tilespmem:$0x1F380] =	vst v63  }
0x95: {  	_ =	swait.ge [sflag:s15], $0x4000  }
0x96: {  	[sflag:s15] =	ssyncset.done $0x0  }
0x97: {  	[sflag:s15] =	ssyncadd.s32 $0xFFFFC000  }
0x98: {  	v2 =	vld [tilespmem:s30+$0x14600];
	_ =	sdelay $0x7  }
0x99: {  	[tilespmem:v2+s23+$0x0] =	vst.idx.add.f32.msk $0xffff, v1  }
0x9a: {  	v2 =	vld [tilespmem:s30+$0x14610];
	_ =	sdelay $0x7  }
0x9b: {  	[tilespmem:v2+s23+$0x0] =	vst.idx.add.f32.msk $0xffff, v1  }
0x9c: {  	v2 =	vld [tilespmem:s30+$0x14620];
	_ =	sdelay $0x7  }
0x9d: {  	[tilespmem:v2+s23+$0x0] =	vst.idx.add.f32.msk $0xffff, v1  }
0x9e: {  	v2 =	vld [tilespmem:s30+$0x14630];
	_ =	sdelay $0x7  }
0x9f: {  	[tilespmem:v2+s23+$0x0] =	vst.idx.add.f32.msk $0xffff, v1  }
0xa0: {  	v2 =	vld [tilespmem:s30+$0x14640];
	_ =	sdelay $0x7  }
0xa1: {  	[tilespmem:v2+s23+$0x0] =	vst.idx.add.f32.msk $0xffff, v1  }
0xa2: {  	v2 =	vld [tilespmem:s30+$0x14650];
	_ =	sdelay $0x7  }
0xa3: {  	[tilespmem:v2+s23+$0x0] =	vst.idx.add.f32.msk $0xffff, v1  }
0xa4: {  	v2 =	vld [tilespmem:s30+$0x14660];
	_ =	sdelay $0x7  }
0xa5: {  	[tilespmem:v2+s23+$0x0] =	vst.idx.add.f32.msk $0xffff, v1  }
0xa6: {  	v2 =	vld [tilespmem:s30+$0x14670];
	_ =	sdelay $0x7  }
0xa7: {  	s20 =	sadd.s32 $0x13F00, s30;
	[tilespmem:v2+s23+$0x0] =	vst.idx.add.f32.msk $0xffff, v1  }
0xa8: {  	[tilespmem:s19], [sflag:$0x1] =	stream.indirect.gather [hbm4b:s8+s18], $0x80, s20, s18, $0xb8;
	[tilespmem:$0x1F380] =	vst v63  }
0xa9: {  	_ =	swait.ge [sflag:s24], $0x4000  }
0xaa: {  	[sflag:s24] =	ssyncset.done $0x0  }
0xab: {  	s17 =	sadd.s32 $0x14680, s30;
	[sflag:s24] =	ssyncadd.s32 $0xFFFFC000  }
0xac: {  	[spmem:s1] =	stream.indirect.scatter.add.f32 [tilespmem:s21], [sflag:$0x4], $0x80, s17, s18, $0xb8;
	[tilespmem:$0x1F380] =	vst v63  }
0xad: {  	_ =	swait.ge [sflag:s15], $0x4000  }
0xae: {  	[sflag:s15] =	ssyncset.done $0x0  }
0xaf: {  	[sflag:s15] =	ssyncadd.s32 $0xFFFFC000  }
0xb0: {  	v2 =	vld [tilespmem:s30+$0x14680];
	_ =	sdelay $0x7  }
0xb1: {  	[tilespmem:v2+s23+$0x0] =	vst.idx.add.f32.msk $0xffff, v1  }
0xb2: {  	v2 =	vld [tilespmem:s30+$0x14690];
	_ =	sdelay $0x7  }
0xb3: {  	[tilespmem:v2+s23+$0x0] =	vst.idx.add.f32.msk $0xffff, v1  }
0xb4: {  	v2 =	vld [tilespmem:s30+$0x146A0];
	_ =	sdelay $0x7  }
0xb5: {  	[tilespmem:v2+s23+$0x0] =	vst.idx.add.f32.msk $0xffff, v1  }
0xb6: {  	v2 =	vld [tilespmem:s30+$0x146B0];
	_ =	sdelay $0x7  }
0xb7: {  	[tilespmem:v2+s23+$0x0] =	vst.idx.add.f32.msk $0xffff, v1  }
0xb8: {  	v2 =	vld [tilespmem:s30+$0x146C0];
	_ =	sdelay $0x7  }
0xb9: {  	[tilespmem:v2+s23+$0x0] =	vst.idx.add.f32.msk $0xffff, v1  }
0xba: {  	v2 =	vld [tilespmem:s30+$0x146D0];
	_ =	sdelay $0x7  }
0xbb: {  	[tilespmem:v2+s23+$0x0] =	vst.idx.add.f32.msk $0xffff, v1  }
0xbc: {  	v2 =	vld [tilespmem:s30+$0x146E0];
	_ =	sdelay $0x7  }
0xbd: {  	[tilespmem:v2+s23+$0x0] =	vst.idx.add.f32.msk $0xffff, v1  }
0xbe: {  	v2 =	vld [tilespmem:s30+$0x146F0];
	_ =	sdelay $0x7  }
0xbf: {  	s2 =	simm.s32 @!p0 $0x3;
	s20 =	sadd.s32 $0x13F80, s30;
	[tilespmem:v2+s23+$0x0] =	vst.idx.add.f32.msk $0xffff, v1  }
0xc0: {  	[tilespmem:s21], [sflag:$0x2] =	stream.indirect.gather [hbm4b:s8+s18], $0x80, s20, s18, $0xb8;
	[tilespmem:$0x1F380] =	vst v63  }
0xc1: {  	_ =	swait.ge @!p0 [sflag:s2], $0x400  }
0xc2: {  	[sflag:s2] =	ssyncset.done @!p0 $0x0  }
0xc3: {  	[sflag:s2] =	ssyncadd.s32 @!p0 $0xFFFFFC00  }
0xc4: {  	_ =	swait.ge @!p0 [sflag:s2], $0x400  }
0xc5: {  	[sflag:s2] =	ssyncset.done @!p0 $0x0  }
0xc6: {  	[sflag:s2] =	ssyncadd.s32 @!p0 $0xFFFFFC00  }
0xc7: {  	_ =	swait.ge [sflag:s22], $0x4000  }
0xc8: {  	[sflag:s22] =	ssyncset.done $0x0  }
0xc9: {  	s17 =	sadd.s32 $0x14700, s30;
	[sflag:s22] =	ssyncadd.s32 $0xFFFFC000  }
0xca: {  	[spmem:s1] =	stream.indirect.scatter.add.f32 [tilespmem:s19], [sflag:$0x4], $0x80, s17, s18, $0xb8;
	[tilespmem:$0x1F380] =	vst v63  }
0xcb: {  	_ =	swait.ge [sflag:s15], $0x4000  }
0xcc: {  	[sflag:s15] =	ssyncset.done $0x0  }
0xcd: {  	[sflag:s15] =	ssyncadd.s32 $0xFFFFC000  }
0xce: {  	v2 =	vld [tilespmem:s30+$0x14700];
	_ =	sdelay $0x7  }
0xcf: {  	[tilespmem:v2+s23+$0x0] =	vst.idx.add.f32.msk $0xffff, v1  }
0xd0: {  	v2 =	vld [tilespmem:s30+$0x14710];
	_ =	sdelay $0x7  }
0xd1: {  	[tilespmem:v2+s23+$0x0] =	vst.idx.add.f32.msk $0xffff, v1  }
0xd2: {  	v2 =	vld [tilespmem:s30+$0x14720];
	_ =	sdelay $0x7  }
0xd3: {  	[tilespmem:v2+s23+$0x0] =	vst.idx.add.f32.msk $0xffff, v1  }
0xd4: {  	v2 =	vld [tilespmem:s30+$0x14730];
	_ =	sdelay $0x7  }
0xd5: {  	[tilespmem:v2+s23+$0x0] =	vst.idx.add.f32.msk $0xffff, v1  }
0xd6: {  	v2 =	vld [tilespmem:s30+$0x14740];
	_ =	sdelay $0x7  }
0xd7: {  	[tilespmem:v2+s23+$0x0] =	vst.idx.add.f32.msk $0xffff, v1  }
0xd8: {  	v2 =	vld [tilespmem:s30+$0x14750];
	_ =	sdelay $0x7  }
0xd9: {  	[tilespmem:v2+s23+$0x0] =	vst.idx.add.f32.msk $0xffff, v1  }
0xda: {  	v2 =	vld [tilespmem:s30+$0x14760];
	_ =	sdelay $0x7  }
0xdb: {  	[tilespmem:v2+s23+$0x0] =	vst.idx.add.f32.msk $0xffff, v1  }
0xdc: {  	v2 =	vld [tilespmem:s30+$0x14770];
	_ =	sdelay $0x7  }
0xdd: {  	s2 =	simm.s32 @!p0 $0x80;
	s17 =	simm.s32 @!p0 $0x14C00;
	[tilespmem:v2+s23+$0x0] =	vst.idx.add.f32.msk $0xffff, v1  }
0xde: {  	[tilespmem:s17], [sflag:$0x1] =	stream.indirect.gather @!p0 [hbm4b:s8+s2], $0x80, s0, s2, $0xb8;
	[tilespmem:$0x1F380] =	vst v63  }
0xdf: {  	_ =	swait.ge [sflag:s24], $0x4000  }
0xe0: {  	[sflag:s24] =	ssyncset.done $0x0  }
0xe1: {  	s20 =	sadd.s32 $0x14780, s30;
	[sflag:s24] =	ssyncadd.s32 $0xFFFFC000  }
0xe2: {  	[spmem:s1] =	stream.indirect.scatter.add.f32 [tilespmem:s21], [sflag:$0x4], $0x80, s20, s18, $0xb8;
	[tilespmem:$0x1F380] =	vst v63  }
0xe3: {  	_ =	swait.ge [sflag:s15], $0x4000  }
0xe4: {  	[sflag:s15] =	ssyncset.done $0x0  }
0xe5: {  	[sflag:s15] =	ssyncadd.s32 $0xFFFFC000  }
0xe6: {  	v2 =	vld [tilespmem:s30+$0x14780];
	_ =	sdelay $0x7  }
0xe7: {  	[tilespmem:v2+s23+$0x0] =	vst.idx.add.f32.msk $0xffff, v1  }
0xe8: {  	v2 =	vld [tilespmem:s30+$0x14790];
	_ =	sdelay $0x7  }
0xe9: {  	[tilespmem:v2+s23+$0x0] =	vst.idx.add.f32.msk $0xffff, v1  }
0xea: {  	v2 =	vld [tilespmem:s30+$0x147A0];
	_ =	sdelay $0x7  }
0xeb: {  	[tilespmem:v2+s23+$0x0] =	vst.idx.add.f32.msk $0xffff, v1  }
0xec: {  	v2 =	vld [tilespmem:s30+$0x147B0];
	_ =	sdelay $0x7  }
0xed: {  	[tilespmem:v2+s23+$0x0] =	vst.idx.add.f32.msk $0xffff, v1  }
0xee: {  	v2 =	vld [tilespmem:s30+$0x147C0];
	_ =	sdelay $0x7  }
0xef: {  	[tilespmem:v2+s23+$0x0] =	vst.idx.add.f32.msk $0xffff, v1  }
0xf0: {  	v2 =	vld [tilespmem:s30+$0x147D0];
	_ =	sdelay $0x7  }
0xf1: {  	[tilespmem:v2+s23+$0x0] =	vst.idx.add.f32.msk $0xffff, v1  }
0xf2: {  	v2 =	vld [tilespmem:s30+$0x147E0];
	_ =	sdelay $0x7  }
0xf3: {  	[tilespmem:v2+s23+$0x0] =	vst.idx.add.f32.msk $0xffff, v1  }
0xf4: {  	v2 =	vld [tilespmem:s30+$0x147F0];
	_ =	sdelay $0x1  }
0xf5: {  	s29 =	sadd.s32 @!p0 $0x80, s29  }
0xf6: {  	p1 =	sne.s32 @!p0 s29, $0xA00  }
0xf7: {  	p1 =	por p0, !p1  }
.Ltmp1:
0xf8: {  	_ = 	snop;
	(pc) =	sbr.rel @!p1 .LBB2_4-.Ltmp1, $4  }
0xf9: {  	_ = 	snop  }
0xfa: {  	s26 =	sadd.s32 @!p0 $0x400, s26  }
0xfb: {  	s28 =	sadd.s32 @!p0 $0x1, s28;
	s0 =	sadd.s32 @!p0 $0x13C80, s31;
	s17 =	simm.s32 @!p0 $0x18C00;
	[tilespmem:v2+s23+$0x0] =	vst.idx.add.f32.msk $0xffff, v1  }
0xfc: {  	[tilespmem:s17], [sflag:$0x2] =	stream.indirect.gather @!p0 [hbm4b:s8+s2], $0x80, s0, s2, $0xb8;
	[tilespmem:$0x1F380] =	vst v63  }
0xfd: {  	[bflag:$0x0] =	sbarrier.arrive $0xFFFF  }
0xfe: {  	[hbm:s9], [sflag:s5] =	dma.local [spmem:s14], $0x2780  }
0xff: {  	s3 =	sadd.s32 $0x1, s3;
	_ =	swait.ge [sflag:s15], $0x2780  }
0x100: {  	p0 =	sne.s32 s3, s11;
	[sflag:s15] =	ssyncset.done $0x0  }
.Ltmp2:
0x101: {  	[sflag:s15] =	ssyncadd.s32 $0xFFFFD880;
	(pc) =	sbr.rel @p0 .LBB2_1-.Ltmp2, $4  }
0x102: {  	[hbm4b:s10+s18] =	stream.strided.scatter [tilespmem:s23], [sflag:$0x4], $0x2780, s25, s18, $0x38;
	[tilespmem:$0x1F380] =	vst v63  }
0x103: {  	_ =	swait.ge [sflag:s15], $0x2780  }
0x104: {  	[sflag:s15] =	ssyncset.done $0x0  }
0x105: {  	[sflag:s15] =	ssyncadd.s32 $0xFFFFD880  }
0x106: {  	_ =	sfence.sel $0x180000  }
0x107: {  	[bflag:$0x0] =	sbarrier.arrive $0xFFFF  }
0x108: {  	_ =	strace $0x90000047  }
0x109: {  	s0 =	stileid.u32;
	[bflag:$0x2] =	sbarrier.arrive $0xFFFF  }
0x10a: {  	p0 =	sne.s32 s0, $0x0;
	s0 =	rddreg [dreg:$0x4]  }
0x10b: {  	s0 =	sadd.s32 @!p0 $0x100000, s0  }
0x10c: {  	[sflag:s0] =	ssyncadd.tile.s32 @!p0 $0x1;
	_ =	shalt  }
.Lfunc_end2:
_tile_overlayer_lowered:
.L_overlay_start_2:
0x10d: {  	(tag) =	ssettag $0x2  }
0x10e: {  	s0 =	rddreg [dreg:$0x0];
	s2 =	stileid.u32  }
0x10f: {  	s1 =	rddreg [dreg:$0x1];
	p0 =	sne.s32 s2, $0x0  }
0x110: {  	s3 =	rddreg [dreg:$0x2];
	[bflag:$0x3] =	sbarrier.arrive $0xFFFF;
	s2 =	simm.s32 @!p0 $0x1C04  }
0x111: {  	[timem:s3], [sflag:s2] =	dma.local @!p0 [hbm:s0], s1  }
0x112: {  	s0 =	simm.s32 @!p0 $0x4  }
0x113: {  	_ =	swait.ge @!p0 [sflag:s0], s1  }
0x114: {  	s1 =	ssub.s32 @!p0 $0x0, s1;
	[sflag:s0] =	ssyncset.done @!p0 $0x0  }
0x115: {  	[sflag:s0] =	ssyncadd.s32 @!p0 s1  }
0x116: {  	[bflag:$0x3] =	sbarrier.arrive $0xFFFF  }
0x117: {  	_ =	shalt  }

</sc_bundles>
